<compile_context>
chip_gen: v7x
topology: tpu7x:2x2x1
jax: 0.10.2.dev20260603
libtpu: 0.0.44.dev20260713+nightly
codegen_flags: <defaults>
</compile_context>

<pallas_src>
import functools

import jax
import jax.numpy as jnp
from jax import lax
from jax.experimental import pallas as pl
from jax.experimental.pallas import tpu as pltpu
from jax.experimental.pallas import tpu_sc as plsc

NUM_GROUP = 256
GROUP_SIZE = 32
B = 8
N = 16384
NVREG_N = N // 16
BIGI = 2147483647


def _fps_body(xp, yp, zp, out, xl, yl, zl, dist, cstage):
    c = lax.axis_index("c")
    s = lax.axis_index("s")
    b = c * 4 + s
    iota = lax.iota(jnp.int32, 16)
    lane0 = iota == 0

    @pl.when(s < 4)
    def _():
        pltpu.sync_copy(xp.at[b], xl)
        pltpu.sync_copy(yp.at[b], yl)
        pltpu.sync_copy(zp.at[b], zl)

        def initbody(j, carry):
            dist[pl.ds(j * 16, 16)] = jnp.full((16,), 1e10, jnp.float32)
            return carry
        lax.fori_loop(0, NVREG_N, initbody, 0)

        z16 = jnp.zeros((16,), jnp.float32)

        def sumbody(j, carry):
            sx, sy, sz = carry
            off = j * 16
            return (sx + xl[pl.ds(off, 16)],
                    sy + yl[pl.ds(off, 16)],
                    sz + zl[pl.ds(off, 16)])
        sx, sy, sz = lax.fori_loop(0, NVREG_N, sumbody, (z16, z16, z16))
        bx = jnp.sum(sx) * (1.0 / N)
        by = jnp.sum(sy) * (1.0 / N)
        bz = jnp.sum(sz) * (1.0 / N)

        def pick(m, mi):
            mval = jnp.max(m)
            li = jnp.min(jnp.where(m == mval, mi, BIGI))
            liv = li + jnp.zeros((16,), jnp.int32)
            cx = plsc.load_gather(xl, [liv])
            cy = plsc.load_gather(yl, [liv])
            cz = plsc.load_gather(zl, [liv])
            return cx, cy, cz

        def bmax(j, carry):
            m, mi = carry
            off = j * 16
            dx = xl[pl.ds(off, 16)] - bx
            dy = yl[pl.ds(off, 16)] - by
            dz = zl[pl.ds(off, 16)] - bz
            d = dx * dx + dy * dy + dz * dz
            cmp = d > m
            m = jnp.where(cmp, d, m)
            mi = jnp.where(cmp, off + iota, mi)
            return (m, mi)
        m, mi = lax.fori_loop(0, NVREG_N, bmax,
                              (jnp.full((16,), -1.0, jnp.float32),
                               jnp.zeros((16,), jnp.int32)))
        cx, cy, cz = pick(m, mi)

        def mbody(i, carry):
            cx, cy, cz = carry
            base = 3 * i + jnp.zeros((16,), jnp.int32)
            plsc.store_scatter(cstage, [base], cx, mask=lane0)
            plsc.store_scatter(cstage, [base + 1], cy, mask=lane0)
            plsc.store_scatter(cstage, [base + 2], cz, mask=lane0)

            def dbody(j, carry2):
                m, mi = carry2
                for u in range(4):
                    off = (j * 4 + u) * 16
                    dx = xl[pl.ds(off, 16)] - cx
                    dy = yl[pl.ds(off, 16)] - cy
                    dz = zl[pl.ds(off, 16)] - cz
                    d = dx * dx + dy * dy + dz * dz
                    dd = jnp.minimum(dist[pl.ds(off, 16)], d)
                    dist[pl.ds(off, 16)] = dd
                    cmp = dd > m
                    m = jnp.where(cmp, dd, m)
                    mi = jnp.where(cmp, off + iota, mi)
                return (m, mi)
            m2, mi2 = lax.fori_loop(0, NVREG_N // 4, dbody,
                                    (jnp.full((16,), -1.0, jnp.float32),
                                     jnp.zeros((16,), jnp.int32)))
            return pick(m2, mi2)

        lax.fori_loop(0, NUM_GROUP, mbody, (cx, cy, cz))
        pltpu.sync_copy(cstage, out.at[pl.ds(b * (NUM_GROUP * 3), NUM_GROUP * 3)])


@jax.jit
def _fps_centers(xp, yp, zp):
    mesh = plsc.VectorSubcoreMesh(core_axis_name="c", subcore_axis_name="s")
    f = functools.partial(
        pl.kernel,
        mesh=mesh,
        compiler_params=pltpu.CompilerParams(needs_layout_passes=False),
        out_type=jax.ShapeDtypeStruct((B * NUM_GROUP * 3,), jnp.float32),
        scratch_types=[
            pltpu.VMEM((N,), jnp.float32),
            pltpu.VMEM((N,), jnp.float32),
            pltpu.VMEM((N,), jnp.float32),
            pltpu.VMEM((N,), jnp.float32),
            pltpu.VMEM((NUM_GROUP * 3,), jnp.float32),
        ],
    )(_fps_body)
    return f(xp, yp, zp)


ROWS_PER_W = (B * NUM_GROUP) // 32
BUFCAP = 144
INF = float("inf")


def _bfr16(v):
    u = plsc.bitcast(v, jnp.uint32)
    r = (u + jnp.uint32(0x7FFF) + ((u >> 16) & jnp.uint32(1))) \
        & jnp.uint32(0xFFFF0000)
    return plsc.bitcast(r, jnp.float32)


NCAND = 48


def _knn_body(xp, yp, zp, centers, outp, outi, xl, yl, zl, sq, xb, yb, zb,
              cloc, dbuf, ibuf, t48d, t48i, ostage):
    c = lax.axis_index("c")
    s = lax.axis_index("s")
    w = c * 16 + s
    b = w // 4
    g0 = (w % 4) * ROWS_PER_W
    iota = lax.iota(jnp.int32, 16)

    pltpu.sync_copy(xp.at[b], xl)
    pltpu.sync_copy(yp.at[b], yl)
    pltpu.sync_copy(zp.at[b], zl)
    pltpu.sync_copy(centers.at[pl.ds(b * (NUM_GROUP * 3) + g0 * 3,
                                     ROWS_PER_W * 3)],
                    cloc.at[pl.ds(0, ROWS_PER_W * 3)])

    def sqbody(j, carry):
        off = j * 16
        x = xl[pl.ds(off, 16)]
        y = yl[pl.ds(off, 16)]
        z = zl[pl.ds(off, 16)]
        sq[pl.ds(off, 16)] = x * x + y * y + z * z
        xb[pl.ds(off, 16)] = _bfr16(x)
        yb[pl.ds(off, 16)] = _bfr16(y)
        zb[pl.ds(off, 16)] = _bfr16(z)
        return carry
    lax.fori_loop(0, NVREG_N, sqbody, 0)

    def mergepair(a_d, a_i, b_d, b_i):
        rd = lax.rev(b_d, (0,))
        ri = lax.rev(b_i, (0,))
        sel = a_d <= rd
        lo_d = jnp.where(sel, a_d, rd)
        lo_i = jnp.where(sel, a_i, ri)
        hi_d = jnp.where(sel, rd, a_d)
        hi_i = jnp.where(sel, ri, a_i)
        lo_d, lo_i = plsc.sort_key_val(lo_d, lo_i)
        hi_d, hi_i = plsc.sort_key_val(hi_d, hi_i)
        return lo_d, lo_i, hi_d, hi_i

    def compact(pos):
        lo_d = t48d[pl.ds(0, 16)]
        lo_i = t48i[pl.ds(0, 16)]
        md_d = t48d[pl.ds(16, 16)]
        md_i = t48i[pl.ds(16, 16)]
        hi_d = t48d[pl.ds(32, 16)]
        hi_i = t48i[pl.ds(32, 16)]
        nb = (pos + 15) // 16

        def cbody(k, carry):
            lo_d, lo_i, md_d, md_i, hi_d, hi_i = carry
            off = k * 16
            valid = (off + iota) < pos
            nd = jnp.where(valid, dbuf[pl.ds(off, 16)], INF)
            ni = ibuf[pl.ds(off, 16)]
            nd, ni = plsc.sort_key_val(nd, ni)
            lo_d, lo_i, s_d, s_i = mergepair(lo_d, lo_i, nd, ni)
            md_d, md_i, s_d, s_i = mergepair(md_d, md_i, s_d, s_i)
            hi_d, hi_i, _, _ = mergepair(hi_d, hi_i, s_d, s_i)
            return (lo_d, lo_i, md_d, md_i, hi_d, hi_i)
        lo_d, lo_i, md_d, md_i, hi_d, hi_i = lax.fori_loop(
            0, nb, cbody, (lo_d, lo_i, md_d, md_i, hi_d, hi_i))
        t48d[pl.ds(0, 16)] = lo_d
        t48i[pl.ds(0, 16)] = lo_i
        t48d[pl.ds(16, 16)] = md_d
        t48i[pl.ds(16, 16)] = md_i
        t48d[pl.ds(32, 16)] = hi_d
        t48i[pl.ds(32, 16)] = hi_i

    def row(j, carry):
        cv = cloc[pl.ds(3 * j, 16)]
        cvb = _bfr16(cv)
        cx = cv[0]
        cy = cv[1]
        cz = cv[2]
        cxb = cvb[0]
        cyb = cvb[1]
        czb = cvb[2]
        cc = cx * cx + cy * cy + cz * cz
        for part in range(3):
            t48d[pl.ds(16 * part, 16)] = jnp.full((16,), INF, jnp.float32)
            t48i[pl.ds(16 * part, 16)] = jnp.zeros((16,), jnp.int32)

        def scan(j2, carry2):
            pos, t = carry2
            for u in range(4):
                off = (j2 * 4 + u) * 16
                x = xb[pl.ds(off, 16)]
                y = yb[pl.ds(off, 16)]
                z = zb[pl.ds(off, 16)]
                sv = sq[pl.ds(off, 16)]
                tt = cxb * x + cyb * y + czb * z
                d = (cc + sv) - 2.0 * tt
                msk = d < t
                plsc.store_compressed(dbuf.at[pl.ds(pos, 16)], d, mask=msk)
                plsc.store_compressed(ibuf.at[pl.ds(pos, 16)], off + iota,
                                      mask=msk)
                pos = pos + plsc.all_reduce_population_count(msk)[0]

            def do_compact(p, tt_):
                compact(p)
                return (jnp.int32(0), t48d[pl.ds(32, 16)][15])
            return lax.cond(pos >= 64, do_compact,
                            lambda p, tt_: (p, tt_), pos, t)

        pos, _ = lax.fori_loop(0, NVREG_N // 4, scan,
                               (jnp.int32(0), jnp.float32(INF)))
        compact(pos)

        for part in range(3):
            iv = t48i[pl.ds(16 * part, 16)]
            px = plsc.load_gather(xl, [iv])
            py = plsc.load_gather(yl, [iv])
            pz = plsc.load_gather(zl, [iv])
            p3 = part * 48 + iota * 3
            plsc.store_scatter(ostage, [p3], px)
            plsc.store_scatter(ostage, [p3 + 1], py)
            plsc.store_scatter(ostage, [p3 + 2], pz)
        row_id = b * NUM_GROUP + g0 + j
        pltpu.sync_copy(ostage, outp.at[pl.ds(row_id * (NCAND * 3),
                                              NCAND * 3)])
        pltpu.sync_copy(t48i, outi.at[pl.ds(row_id * NCAND, NCAND)])
        return carry

    lax.fori_loop(0, ROWS_PER_W, row, 0)


@jax.jit
def _knn_groups(xp, yp, zp, centers):
    mesh = plsc.VectorSubcoreMesh(core_axis_name="c", subcore_axis_name="s")
    f = functools.partial(
        pl.kernel,
        mesh=mesh,
        compiler_params=pltpu.CompilerParams(needs_layout_passes=False),
        out_type=(jax.ShapeDtypeStruct((B * NUM_GROUP * NCAND * 3,),
                                       jnp.float32),
                  jax.ShapeDtypeStruct((B * NUM_GROUP * NCAND,), jnp.int32)),
        scratch_types=[
            pltpu.VMEM((N,), jnp.float32),
            pltpu.VMEM((N,), jnp.float32),
            pltpu.VMEM((N,), jnp.float32),
            pltpu.VMEM((N,), jnp.float32),
            pltpu.VMEM((N,), jnp.float32),
            pltpu.VMEM((N,), jnp.float32),
            pltpu.VMEM((N,), jnp.float32),
            pltpu.VMEM((ROWS_PER_W * 3 + 16,), jnp.float32),
            pltpu.VMEM((BUFCAP,), jnp.float32),
            pltpu.VMEM((BUFCAP,), jnp.int32),
            pltpu.VMEM((NCAND,), jnp.float32),
            pltpu.VMEM((NCAND,), jnp.int32),
            pltpu.VMEM((NCAND * 3,), jnp.float32),
        ],
    )(_knn_body)
    return f(xp, yp, zp, centers)


def kernel(xyz):
    planes = jnp.transpose(xyz, (2, 0, 1))
    centers_flat = _fps_centers(planes[0], planes[1], planes[2])
    center = centers_flat.reshape(B, NUM_GROUP, 3)
    pts_flat, idx_flat = _knn_groups(planes[0], planes[1], planes[2],
                                     centers_flat)
    pts48 = pts_flat.reshape(B, NUM_GROUP, NCAND, 3)
    idx48 = idx_flat.reshape(B, NUM_GROUP, NCAND)
    d48 = (jnp.sum(center ** 2, -1)[:, :, None]
           + jnp.sum(pts48 ** 2, -1)
           - 2.0 * jnp.einsum('bgd,bgkd->bgk', center, pts48))
    posv = jnp.broadcast_to(jnp.arange(NCAND, dtype=jnp.int32),
                            idx48.shape)
    _, _, pos_sorted = jax.lax.sort((d48, idx48, posv), num_keys=2,
                                    dimension=2)
    pos32 = pos_sorted[:, :, :GROUP_SIZE]
    sel = jnp.take_along_axis(pts48, pos32[..., None], axis=2)
    neighborhood = sel - center[:, :, None, :]
    return (neighborhood, center)

# --- scband reference (transcript-rebuilt; emitter-appended) ---
"""Pipeline reference for scband-group-37726992728311 (READ-ONLY COPY).

The authoritative reference and input builder live on the scoring server;
editing this copy changes nothing except your own understanding.
"""

import jax, jax.numpy as jnp
import numpy as np

NUM_GROUP = 256
GROUP_SIZE = 32
FEATURE_DIM = 3


def farthest_point_sample(xyz, npoint):
    # xyz: [B, N, C] -> centroids: int32 [B, npoint]
    B, N, C = xyz.shape
    barycenter = jnp.mean(xyz, axis=1, keepdims=True)  # [B,1,C]
    dist = jnp.sum((xyz - barycenter) ** 2, axis=-1)   # [B,N]
    farthest = jnp.argmax(dist, axis=1)                # int32 [B]
    distance = jnp.full((B, N), 1e10, dtype=xyz.dtype)
    centroids = jnp.zeros((B, npoint), dtype=farthest.dtype)
    batch_idx = jnp.arange(B)

    def body(i, carry):
        centroids, distance, farthest = carry
        centroids = centroids.at[:, i].set(farthest)
        centroid = xyz[batch_idx, farthest][:, None, :]        # [B,1,C]
        d = jnp.sum((xyz - centroid) ** 2, axis=-1)            # [B,N]
        distance = jnp.minimum(distance, d)
        farthest = jnp.argmax(distance, axis=-1)
        return (centroids, distance, farthest)

    centroids, _, _ = jax.lax.fori_loop(0, npoint, body, (centroids, distance, farthest))
    return centroids


def setup_inputs(seed: int = 0) -> dict:
    key = jax.random.key(seed)
    xyz = jax.random.normal(key, (8, 16384, 3), dtype=jnp.float32)
    return {"xyz": xyz}


def reference(xyz):
    B, N, C = xyz.shape
    batch_idx = jnp.arange(B)[:, None]
    # FPS (detached in the original torch code -> index constants)
    center_index = farthest_point_sample(jax.lax.stop_gradient(xyz), NUM_GROUP)  # [B,G]
    center = xyz[batch_idx, center_index, :]                                     # [B,G,C]
    # KNN: squared distances center->points via cdist expansion, then top-k smallest
    d_sq = (jnp.sum(center ** 2, axis=-1)[:, :, None]
            + jnp.sum(xyz ** 2, axis=-1)[:, None, :]
            - 2.0 * jnp.einsum('bgd,bnd->bgn', center, xyz))                     # [B,G,N]
    _, idx = jax.lax.top_k(-d_sq, GROUP_SIZE)                                    # [B,G,M]
    assert idx.shape[1] == NUM_GROUP
    assert idx.shape[2] == GROUP_SIZE
    idx_base = jnp.arange(B)[:, None, None] * N
    idx_flat = (idx + idx_base).reshape(-1)
    flat = xyz.reshape(B * N, -1)
    neighborhood = flat[idx_flat, :].reshape(B, NUM_GROUP, GROUP_SIZE, FEATURE_DIM)
    neighborhood = neighborhood - center[:, :, None, :]
    return (neighborhood, center)

if __name__ == "__main__":
    import jax
    _d = setup_inputs()
    print(jax.jit(kernel)(*tuple(_d.values())))

</pallas_src>

<mosaic_0001>
#map = affine_map<(d0, d1) -> (0, 0)>
#map1 = affine_map<(d0, d1) -> (0)>
module attributes {stable_mosaic.version = 14 : i64} {
  func.func @_fps_body(%arg0: i32, %arg1: i32, %arg2: memref<8x16384xf32, #tpu.memory_space<hbm>>, %arg3: memref<8x16384xf32, #tpu.memory_space<hbm>>, %arg4: memref<8x16384xf32, #tpu.memory_space<hbm>>, %arg5: memref<6144xf32, #tpu.memory_space<hbm>>, %arg6: memref<16384xf32, #tpu.memory_space<vmem>>, %arg7: memref<16384xf32, #tpu.memory_space<vmem>>, %arg8: memref<16384xf32, #tpu.memory_space<vmem>>, %arg9: memref<16384xf32, #tpu.memory_space<vmem>>, %arg10: memref<768xf32, #tpu.memory_space<vmem>>) attributes {dimension_semantics = [#tpu.dimension_semantics<core_parallel>, #tpu.dimension_semantics<subcore_parallel>], iteration_bounds = array<i64: 2, 16>, scalar_prefetch = 0 : i64, scratch_operands = 5 : i64, tpu.core_type = #tpu.core_type<sc_vector_subcore>, window_params = [{transform_indices = #map}, {transform_indices = #map}, {transform_indices = #map}, {transform_indices = #map1}]} {
    %mul3A = arith.constant 4 : i32
    %mul3A_0 = arith.muli %arg0, %mul3A : i32
    %add3A = arith.addi %mul3A_0, %arg1 : i32
    %iota3A = tpu.iota {dimensions = array<i32: 0>} : vector<16xi32>
    %eq3A = arith.constant 0 : i32
    %eq3A_1 = vector.broadcast %eq3A : i32 to vector<16xi32>
    %eq3A_2 = arith.cmpi eq, %iota3A, %eq3A_1 : vector<16xi32>
    %lt3A = arith.constant 4 : i32
    %lt3A_3 = arith.cmpi slt, %arg1, %lt3A : i32
    %convert_element_type3A = arith.extui %lt3A_3 : i1 to i32
    %cond3A = arith.constant 0 : i32
    %cond3A_4 = arith.cmpi ne, %convert_element_type3A, %cond3A : i32
    scf.if %cond3A_4 {
      "tpu.region"() ({
        %run_scoped3A = tpu.sem_alloc : memref<!tpu.dma_semaphore, #tpu.memory_space<semaphore_mem>>
        %dma_start3A = arith.constant 0 : i32
        %dma_start3A_71 = tpu.memref_slice %arg2[%add3A, %dma_start3A] : memref<8x16384xf32, #tpu.memory_space<hbm>> -> memref<1x16384xf32, #tpu.memory_space<hbm>>
        %dma_start3A_72 = tpu.memref_squeeze %dma_start3A_71 : memref<1x16384xf32, #tpu.memory_space<hbm>> -> memref<16384xf32, #tpu.memory_space<hbm>>
        %dma_start3A_73 = arith.constant 0 : i32
        %dma_start3A_74 = tpu.memref_slice %arg2[%add3A, %dma_start3A_73] : memref<8x16384xf32, #tpu.memory_space<hbm>> -> memref<1x16384xf32, #tpu.memory_space<hbm>>
        %dma_start3A_75 = tpu.memref_squeeze %dma_start3A_74 : memref<1x16384xf32, #tpu.memory_space<hbm>> -> memref<16384xf32, #tpu.memory_space<hbm>>
        tpu.enqueue_dma source(%dma_start3A_75 : memref<16384xf32, #tpu.memory_space<hbm>>) target(%arg6 : memref<16384xf32, #tpu.memory_space<vmem>>) target_semaphore(%run_scoped3A : memref<!tpu.dma_semaphore, #tpu.memory_space<semaphore_mem>>)
        %dma_wait3A = arith.constant 0 : i32
        %dma_wait3A_76 = tpu.memref_slice %arg2[%add3A, %dma_wait3A] : memref<8x16384xf32, #tpu.memory_space<hbm>> -> memref<1x16384xf32, #tpu.memory_space<hbm>>
        %dma_wait3A_77 = tpu.memref_squeeze %dma_wait3A_76 : memref<1x16384xf32, #tpu.memory_space<hbm>> -> memref<16384xf32, #tpu.memory_space<hbm>>
        %dma_wait3A_78 = arith.constant 0 : i32
        %dma_wait3A_79 = tpu.memref_slice %arg2[%add3A, %dma_wait3A_78] : memref<8x16384xf32, #tpu.memory_space<hbm>> -> memref<1x16384xf32, #tpu.memory_space<hbm>>
        %dma_wait3A_80 = tpu.memref_squeeze %dma_wait3A_79 : memref<1x16384xf32, #tpu.memory_space<hbm>> -> memref<16384xf32, #tpu.memory_space<hbm>>
        tpu.wait_dma2 semaphore(%run_scoped3A : memref<!tpu.dma_semaphore, #tpu.memory_space<semaphore_mem>>) src(%dma_wait3A_80 : memref<16384xf32, #tpu.memory_space<hbm>>) dst(%arg6 : memref<16384xf32, #tpu.memory_space<vmem>>)
        tpu.yield
      }) : () -> ()
      "tpu.region"() ({
        %run_scoped3A = tpu.sem_alloc : memref<!tpu.dma_semaphore, #tpu.memory_space<semaphore_mem>>
        %dma_start3A = arith.constant 0 : i32
        %dma_start3A_71 = tpu.memref_slice %arg3[%add3A, %dma_start3A] : memref<8x16384xf32, #tpu.memory_space<hbm>> -> memref<1x16384xf32, #tpu.memory_space<hbm>>
        %dma_start3A_72 = tpu.memref_squeeze %dma_start3A_71 : memref<1x16384xf32, #tpu.memory_space<hbm>> -> memref<16384xf32, #tpu.memory_space<hbm>>
        %dma_start3A_73 = arith.constant 0 : i32
        %dma_start3A_74 = tpu.memref_slice %arg3[%add3A, %dma_start3A_73] : memref<8x16384xf32, #tpu.memory_space<hbm>> -> memref<1x16384xf32, #tpu.memory_space<hbm>>
        %dma_start3A_75 = tpu.memref_squeeze %dma_start3A_74 : memref<1x16384xf32, #tpu.memory_space<hbm>> -> memref<16384xf32, #tpu.memory_space<hbm>>
        tpu.enqueue_dma source(%dma_start3A_75 : memref<16384xf32, #tpu.memory_space<hbm>>) target(%arg7 : memref<16384xf32, #tpu.memory_space<vmem>>) target_semaphore(%run_scoped3A : memref<!tpu.dma_semaphore, #tpu.memory_space<semaphore_mem>>)
        %dma_wait3A = arith.constant 0 : i32
        %dma_wait3A_76 = tpu.memref_slice %arg3[%add3A, %dma_wait3A] : memref<8x16384xf32, #tpu.memory_space<hbm>> -> memref<1x16384xf32, #tpu.memory_space<hbm>>
        %dma_wait3A_77 = tpu.memref_squeeze %dma_wait3A_76 : memref<1x16384xf32, #tpu.memory_space<hbm>> -> memref<16384xf32, #tpu.memory_space<hbm>>
        %dma_wait3A_78 = arith.constant 0 : i32
        %dma_wait3A_79 = tpu.memref_slice %arg3[%add3A, %dma_wait3A_78] : memref<8x16384xf32, #tpu.memory_space<hbm>> -> memref<1x16384xf32, #tpu.memory_space<hbm>>
        %dma_wait3A_80 = tpu.memref_squeeze %dma_wait3A_79 : memref<1x16384xf32, #tpu.memory_space<hbm>> -> memref<16384xf32, #tpu.memory_space<hbm>>
        tpu.wait_dma2 semaphore(%run_scoped3A : memref<!tpu.dma_semaphore, #tpu.memory_space<semaphore_mem>>) src(%dma_wait3A_80 : memref<16384xf32, #tpu.memory_space<hbm>>) dst(%arg7 : memref<16384xf32, #tpu.memory_space<vmem>>)
        tpu.yield
      }) : () -> ()
      "tpu.region"() ({
        %run_scoped3A = tpu.sem_alloc : memref<!tpu.dma_semaphore, #tpu.memory_space<semaphore_mem>>
        %dma_start3A = arith.constant 0 : i32
        %dma_start3A_71 = tpu.memref_slice %arg4[%add3A, %dma_start3A] : memref<8x16384xf32, #tpu.memory_space<hbm>> -> memref<1x16384xf32, #tpu.memory_space<hbm>>
        %dma_start3A_72 = tpu.memref_squeeze %dma_start3A_71 : memref<1x16384xf32, #tpu.memory_space<hbm>> -> memref<16384xf32, #tpu.memory_space<hbm>>
        %dma_start3A_73 = arith.constant 0 : i32
        %dma_start3A_74 = tpu.memref_slice %arg4[%add3A, %dma_start3A_73] : memref<8x16384xf32, #tpu.memory_space<hbm>> -> memref<1x16384xf32, #tpu.memory_space<hbm>>
        %dma_start3A_75 = tpu.memref_squeeze %dma_start3A_74 : memref<1x16384xf32, #tpu.memory_space<hbm>> -> memref<16384xf32, #tpu.memory_space<hbm>>
        tpu.enqueue_dma source(%dma_start3A_75 : memref<16384xf32, #tpu.memory_space<hbm>>) target(%arg8 : memref<16384xf32, #tpu.memory_space<vmem>>) target_semaphore(%run_scoped3A : memref<!tpu.dma_semaphore, #tpu.memory_space<semaphore_mem>>)
        %dma_wait3A = arith.constant 0 : i32
        %dma_wait3A_76 = tpu.memref_slice %arg4[%add3A, %dma_wait3A] : memref<8x16384xf32, #tpu.memory_space<hbm>> -> memref<1x16384xf32, #tpu.memory_space<hbm>>
        %dma_wait3A_77 = tpu.memref_squeeze %dma_wait3A_76 : memref<1x16384xf32, #tpu.memory_space<hbm>> -> memref<16384xf32, #tpu.memory_space<hbm>>
        %dma_wait3A_78 = arith.constant 0 : i32
        %dma_wait3A_79 = tpu.memref_slice %arg4[%add3A, %dma_wait3A_78] : memref<8x16384xf32, #tpu.memory_space<hbm>> -> memref<1x16384xf32, #tpu.memory_space<hbm>>
        %dma_wait3A_80 = tpu.memref_squeeze %dma_wait3A_79 : memref<1x16384xf32, #tpu.memory_space<hbm>> -> memref<16384xf32, #tpu.memory_space<hbm>>
        tpu.wait_dma2 semaphore(%run_scoped3A : memref<!tpu.dma_semaphore, #tpu.memory_space<semaphore_mem>>) src(%dma_wait3A_80 : memref<16384xf32, #tpu.memory_space<hbm>>) dst(%arg8 : memref<16384xf32, #tpu.memory_space<vmem>>)
        tpu.yield
      }) : () -> ()
      %scan3A = arith.constant 0 : i32
      %scan3A_5 = arith.constant 0 : i32
      %scan3A_6 = arith.constant 1024 : i32
      %scan3A_7 = arith.addi %scan3A_5, %scan3A_6 : i32
      %scan3A_8 = arith.constant 1 : i32
      scf.for %scan3A_71 = %scan3A_5 to %scan3A_7 step %scan3A_8  : i32 {
        %broadcast_in_dim3A_72 = arith.constant 1.000000e+10 : f32
        %broadcast_in_dim3A_73 = vector.broadcast %broadcast_in_dim3A_72 : f32 to vector<16xf32>
        %mul3A_74 = arith.constant 16 : i32
        %mul3A_75 = arith.muli %scan3A_71, %mul3A_74 : i32
        %swap3A = arith.index_cast %mul3A_75 : i32 to index
        %swap3A_76 = tpu.vector_load %arg9[%swap3A] {strides = array<i32>} : memref<16384xf32, #tpu.memory_space<vmem>>, vector<16xf32>,
        tpu.vector_store %arg9[%swap3A], %broadcast_in_dim3A_73 {strides = array<i32>} : memref<16384xf32, #tpu.memory_space<vmem>>, vector<16xf32>,
      }
      %scan3A_9 = arith.constant 1024 : i32
      %broadcast_in_dim3A = arith.constant 0.000000e+00 : f32
      %broadcast_in_dim3A_10 = vector.broadcast %broadcast_in_dim3A : f32 to vector<16xf32>
      %scan3A_11 = arith.constant 0 : i32
      %scan3A_12 = arith.constant 1024 : i32
      %scan3A_13 = arith.addi %scan3A_11, %scan3A_12 : i32
      %scan3A_14 = arith.constant 1 : i32
      %scan3A_15:3 = scf.for %scan3A_71 = %scan3A_11 to %scan3A_13 step %scan3A_14 iter_args(%scan3A_72 = %broadcast_in_dim3A_10, %scan3A_73 = %broadcast_in_dim3A_10, %scan3A_74 = %broadcast_in_dim3A_10) -> (vector<16xf32>, vector<16xf32>, vector<16xf32>)  : i32 {
        %mul3A_75 = arith.constant 16 : i32
        %mul3A_76 = arith.muli %scan3A_71, %mul3A_75 : i32
        %get3A = arith.index_cast %mul3A_76 : i32 to index
        %get3A_77 = tpu.vector_load %arg6[%get3A] {strides = array<i32>} : memref<16384xf32, #tpu.memory_space<vmem>>, vector<16xf32>,
        %add3A_78 = arith.addf %scan3A_72, %get3A_77 : vector<16xf32>
        %get3A_79 = arith.index_cast %mul3A_76 : i32 to index
        %get3A_80 = tpu.vector_load %arg7[%get3A_79] {strides = array<i32>} : memref<16384xf32, #tpu.memory_space<vmem>>, vector<16xf32>,
        %add3A_81 = arith.addf %scan3A_73, %get3A_80 : vector<16xf32>
        %get3A_82 = arith.index_cast %mul3A_76 : i32 to index
        %get3A_83 = tpu.vector_load %arg8[%get3A_82] {strides = array<i32>} : memref<16384xf32, #tpu.memory_space<vmem>>, vector<16xf32>,
        %add3A_84 = arith.addf %scan3A_74, %get3A_83 : vector<16xf32>
        scf.yield %add3A_78, %add3A_81, %add3A_84 : vector<16xf32>, vector<16xf32>, vector<16xf32>
      }
      %scan3A_16 = arith.constant 1024 : i32
      %reduce_sum3A = arith.constant true
      %reduce_sum3A_17 = vector.broadcast %reduce_sum3A : i1 to vector<16xi1>
      %reduce_sum3A_18 = tpu.scan <sum>, %scan3A_15#0 masked %reduce_sum3A_17 : vector<16xf32>, vector<16xi1> -> vector<16xf32>
      %reduce_sum3A_19 = vector.extract %reduce_sum3A_18[15] : f32 from vector<16xf32>
      %mul3A_20 = arith.constant 6.10351563E-5 : f32
      %mul3A_21 = arith.mulf %reduce_sum3A_19, %mul3A_20 : f32
      %reduce_sum3A_22 = arith.constant true
      %reduce_sum3A_23 = vector.broadcast %reduce_sum3A_22 : i1 to vector<16xi1>
      %reduce_sum3A_24 = tpu.scan <sum>, %scan3A_15#1 masked %reduce_sum3A_23 : vector<16xf32>, vector<16xi1> -> vector<16xf32>
      %reduce_sum3A_25 = vector.extract %reduce_sum3A_24[15] : f32 from vector<16xf32>
      %mul3A_26 = arith.constant 6.10351563E-5 : f32
      %mul3A_27 = arith.mulf %reduce_sum3A_25, %mul3A_26 : f32
      %reduce_sum3A_28 = arith.constant true
      %reduce_sum3A_29 = vector.broadcast %reduce_sum3A_28 : i1 to vector<16xi1>
      %reduce_sum3A_30 = tpu.scan <sum>, %scan3A_15#2 masked %reduce_sum3A_29 : vector<16xf32>, vector<16xi1> -> vector<16xf32>
      %reduce_sum3A_31 = vector.extract %reduce_sum3A_30[15] : f32 from vector<16xf32>
      %mul3A_32 = arith.constant 6.10351563E-5 : f32
      %mul3A_33 = arith.mulf %reduce_sum3A_31, %mul3A_32 : f32
      %broadcast_in_dim3A_34 = arith.constant -1.000000e+00 : f32
      %broadcast_in_dim3A_35 = vector.broadcast %broadcast_in_dim3A_34 : f32 to vector<16xf32>
      %broadcast_in_dim3A_36 = arith.constant 0 : i32
      %broadcast_in_dim3A_37 = vector.broadcast %broadcast_in_dim3A_36 : i32 to vector<16xi32>
      %scan3A_38 = arith.constant 0 : i32
      %scan3A_39 = arith.constant 1024 : i32
      %scan3A_40 = arith.addi %scan3A_38, %scan3A_39 : i32
      %scan3A_41 = arith.constant 1 : i32
      %scan3A_42:2 = scf.for %scan3A_71 = %scan3A_38 to %scan3A_40 step %scan3A_41 iter_args(%scan3A_72 = %broadcast_in_dim3A_35, %scan3A_73 = %broadcast_in_dim3A_37) -> (vector<16xf32>, vector<16xi32>)  : i32 {
        %mul3A_74 = arith.constant 16 : i32
        %mul3A_75 = arith.muli %scan3A_71, %mul3A_74 : i32
        %get3A = arith.index_cast %mul3A_75 : i32 to index
        %get3A_76 = tpu.vector_load %arg6[%get3A] {strides = array<i32>} : memref<16384xf32, #tpu.memory_space<vmem>>, vector<16xf32>,
        %sub3A = vector.broadcast %mul3A_21 : f32 to vector<16xf32>
        %sub3A_77 = arith.subf %get3A_76, %sub3A : vector<16xf32>
        %get3A_78 = arith.index_cast %mul3A_75 : i32 to index
        %get3A_79 = tpu.vector_load %arg7[%get3A_78] {strides = array<i32>} : memref<16384xf32, #tpu.memory_space<vmem>>, vector<16xf32>,
        %sub3A_80 = vector.broadcast %mul3A_27 : f32 to vector<16xf32>
        %sub3A_81 = arith.subf %get3A_79, %sub3A_80 : vector<16xf32>
        %get3A_82 = arith.index_cast %mul3A_75 : i32 to index
        %get3A_83 = tpu.vector_load %arg8[%get3A_82] {strides = array<i32>} : memref<16384xf32, #tpu.memory_space<vmem>>, vector<16xf32>,
        %sub3A_84 = vector.broadcast %mul3A_33 : f32 to vector<16xf32>
        %sub3A_85 = arith.subf %get3A_83, %sub3A_84 : vector<16xf32>
        %mul3A_86 = arith.mulf %sub3A_77, %sub3A_77 : vector<16xf32>
        %mul3A_87 = arith.mulf %sub3A_81, %sub3A_81 : vector<16xf32>
        %add3A_88 = arith.addf %mul3A_86, %mul3A_87 : vector<16xf32>
        %mul3A_89 = arith.mulf %sub3A_85, %sub3A_85 : vector<16xf32>
        %add3A_90 = arith.addf %add3A_88, %mul3A_89 : vector<16xf32>
        %gt3A = arith.cmpf ogt, %add3A_90, %scan3A_72 : vector<16xf32>
        %select_n3A_91 = arith.select %gt3A, %add3A_90, %scan3A_72 : vector<16xi1>, vector<16xf32>
        %add3A_92 = vector.broadcast %mul3A_75 : i32 to vector<16xi32>
        %add3A_93 = arith.addi %add3A_92, %iota3A : vector<16xi32>
        %select_n3A_94 = arith.select %gt3A, %add3A_93, %scan3A_73 : vector<16xi1>, vector<16xi32>
        scf.yield %select_n3A_91, %select_n3A_94 : vector<16xf32>, vector<16xi32>
      }
      %scan3A_43 = arith.constant 1024 : i32
      %reduce_max3A = arith.constant true
      %reduce_max3A_44 = vector.broadcast %reduce_max3A : i1 to vector<16xi1>
      %reduce_max3A_45 = tpu.scan <max>, %scan3A_42#0 masked %reduce_max3A_44 : vector<16xf32>, vector<16xi1> -> vector<16xf32>
      %reduce_max3A_46 = vector.extract %reduce_max3A_45[15] : f32 from vector<16xf32>
      %eq3A_47 = vector.broadcast %reduce_max3A_46 : f32 to vector<16xf32>
      %eq3A_48 = arith.cmpf oeq, %scan3A_42#0, %eq3A_47 : vector<16xf32>
      %jit3A = arith.constant 2147483647 : i32
      %broadcast_in_dim3A_49 = vector.broadcast %jit3A : i32 to vector<16xi32>
      %select_n3A = arith.select %eq3A_48, %scan3A_42#1, %broadcast_in_dim3A_49 : vector<16xi1>, vector<16xi32>
      %reduce_min3A = arith.constant true
      %reduce_min3A_50 = vector.broadcast %reduce_min3A : i1 to vector<16xi1>
      %reduce_min3A_51 = arith.constant -2147483648 : i32
      %reduce_min3A_52 = vector.broadcast %reduce_min3A_51 : i32 to vector<16xi32>
      %reduce_min3A_53 = arith.xori %select_n3A, %reduce_min3A_52 : vector<16xi32>
      %reduce_min3A_54 = tpu.scan <min>, %reduce_min3A_53 masked %reduce_min3A_50 : vector<16xi32>, vector<16xi1> -> vector<16xi32>
      %reduce_min3A_55 = arith.xori %reduce_min3A_54, %reduce_min3A_52 : vector<16xi32>
      %reduce_min3A_56 = vector.extract %reduce_min3A_55[15] : i32 from vector<16xi32>
      %broadcast_in_dim3A_57 = arith.constant 0 : i32
      %broadcast_in_dim3A_58 = vector.broadcast %broadcast_in_dim3A_57 : i32 to vector<16xi32>
      %add3A_59 = vector.broadcast %reduce_min3A_56 : i32 to vector<16xi32>
      %add3A_60 = arith.addi %add3A_59, %broadcast_in_dim3A_58 : vector<16xi32>
      %gather3A = tpu.vector_load_idx %arg6[%add3A_60] : memref<16384xf32, #tpu.memory_space<vmem>>[vector<16xi32>], vector<16xf32>,
      %gather3A_61 = tpu.vector_load_idx %arg7[%add3A_60] : memref<16384xf32, #tpu.memory_space<vmem>>[vector<16xi32>], vector<16xf32>,
      %gather3A_62 = tpu.vector_load_idx %arg8[%add3A_60] : memref<16384xf32, #tpu.memory_space<vmem>>[vector<16xi32>], vector<16xf32>,
      %scan3A_63 = arith.constant 0 : i32
      %scan3A_64 = arith.constant 256 : i32
      %scan3A_65 = arith.addi %scan3A_63, %scan3A_64 : i32
      %scan3A_66 = arith.constant 1 : i32
      %scan3A_67:3 = scf.for %scan3A_71 = %scan3A_63 to %scan3A_65 step %scan3A_66 iter_args(%scan3A_72 = %gather3A, %scan3A_73 = %gather3A_61, %scan3A_74 = %gather3A_62) -> (vector<16xf32>, vector<16xf32>, vector<16xf32>)  : i32 {
        %mul3A_75 = arith.constant 3 : i32
        %mul3A_76 = arith.muli %mul3A_75, %scan3A_71 : i32
        %broadcast_in_dim3A_77 = arith.constant 0 : i32
        %broadcast_in_dim3A_78 = vector.broadcast %broadcast_in_dim3A_77 : i32 to vector<16xi32>
        %add3A_79 = vector.broadcast %mul3A_76 : i32 to vector<16xi32>
        %add3A_80 = arith.addi %add3A_79, %broadcast_in_dim3A_78 : vector<16xi32>
        tpu.vector_store_idx %arg10[%add3A_80], %scan3A_72 masked %eq3A_2 : memref<768xf32, #tpu.memory_space<vmem>>[vector<16xi32>], vector<16xf32>, vector<16xi1>
        %add3A_81 = arith.constant 1 : i32
        %add3A_82 = vector.broadcast %add3A_81 : i32 to vector<16xi32>
        %add3A_83 = arith.addi %add3A_80, %add3A_82 : vector<16xi32>
        tpu.vector_store_idx %arg10[%add3A_83], %scan3A_73 masked %eq3A_2 : memref<768xf32, #tpu.memory_space<vmem>>[vector<16xi32>], vector<16xf32>, vector<16xi1>
        %add3A_84 = arith.constant 2 : i32
        %add3A_85 = vector.broadcast %add3A_84 : i32 to vector<16xi32>
        %add3A_86 = arith.addi %add3A_80, %add3A_85 : vector<16xi32>
        tpu.vector_store_idx %arg10[%add3A_86], %scan3A_74 masked %eq3A_2 : memref<768xf32, #tpu.memory_space<vmem>>[vector<16xi32>], vector<16xf32>, vector<16xi1>
        %broadcast_in_dim3A_87 = arith.constant -1.000000e+00 : f32
        %broadcast_in_dim3A_88 = vector.broadcast %broadcast_in_dim3A_87 : f32 to vector<16xf32>
        %broadcast_in_dim3A_89 = arith.constant 0 : i32
        %broadcast_in_dim3A_90 = vector.broadcast %broadcast_in_dim3A_89 : i32 to vector<16xi32>
        %scan3A_91 = arith.constant 0 : i32
        %scan3A_92 = arith.constant 256 : i32
        %scan3A_93 = arith.addi %scan3A_91, %scan3A_92 : i32
        %scan3A_94 = arith.constant 1 : i32
        %scan3A_95:2 = scf.for %scan3A_121 = %scan3A_91 to %scan3A_93 step %scan3A_94 iter_args(%scan3A_122 = %broadcast_in_dim3A_88, %scan3A_123 = %broadcast_in_dim3A_90) -> (vector<16xf32>, vector<16xi32>)  : i32 {
          %mul3A_124 = arith.constant 4 : i32
          %mul3A_125 = arith.muli %scan3A_121, %mul3A_124 : i32
          %add3A_126 = arith.constant 0 : i32
          %add3A_127 = arith.addi %mul3A_125, %add3A_126 : i32
          %mul3A_128 = arith.constant 16 : i32
          %mul3A_129 = arith.muli %add3A_127, %mul3A_128 : i32
          %get3A = arith.index_cast %mul3A_129 : i32 to index
          %get3A_130 = tpu.vector_load %arg6[%get3A] {strides = array<i32>} : memref<16384xf32, #tpu.memory_space<vmem>>, vector<16xf32>,
          %sub3A = arith.subf %get3A_130, %scan3A_72 : vector<16xf32>
          %get3A_131 = arith.index_cast %mul3A_129 : i32 to index
          %get3A_132 = tpu.vector_load %arg7[%get3A_131] {strides = array<i32>} : memref<16384xf32, #tpu.memory_space<vmem>>, vector<16xf32>,
          %sub3A_133 = arith.subf %get3A_132, %scan3A_73 : vector<16xf32>
          %get3A_134 = arith.index_cast %mul3A_129 : i32 to index
          %get3A_135 = tpu.vector_load %arg8[%get3A_134] {strides = array<i32>} : memref<16384xf32, #tpu.memory_space<vmem>>, vector<16xf32>,
          %sub3A_136 = arith.subf %get3A_135, %scan3A_74 : vector<16xf32>
          %mul3A_137 = arith.mulf %sub3A, %sub3A : vector<16xf32>
          %mul3A_138 = arith.mulf %sub3A_133, %sub3A_133 : vector<16xf32>
          %add3A_139 = arith.addf %mul3A_137, %mul3A_138 : vector<16xf32>
          %mul3A_140 = arith.mulf %sub3A_136, %sub3A_136 : vector<16xf32>
          %add3A_141 = arith.addf %add3A_139, %mul3A_140 : vector<16xf32>
          %get3A_142 = arith.index_cast %mul3A_129 : i32 to index
          %get3A_143 = tpu.vector_load %arg9[%get3A_142] {strides = array<i32>} : memref<16384xf32, #tpu.memory_space<vmem>>, vector<16xf32>,
          %min3A = arith.minimumf %get3A_143, %add3A_141 : vector<16xf32>
          %swap3A = arith.index_cast %mul3A_129 : i32 to index
          %swap3A_144 = tpu.vector_load %arg9[%swap3A] {strides = array<i32>} : memref<16384xf32, #tpu.memory_space<vmem>>, vector<16xf32>,
          tpu.vector_store %arg9[%swap3A], %min3A {strides = array<i32>} : memref<16384xf32, #tpu.memory_space<vmem>>, vector<16xf32>,
          %gt3A = arith.cmpf ogt, %min3A, %scan3A_122 : vector<16xf32>
          %select_n3A_145 = arith.select %gt3A, %min3A, %scan3A_122 : vector<16xi1>, vector<16xf32>
          %add3A_146 = vector.broadcast %mul3A_129 : i32 to vector<16xi32>
          %add3A_147 = arith.addi %add3A_146, %iota3A : vector<16xi32>
          %select_n3A_148 = arith.select %gt3A, %add3A_147, %scan3A_123 : vector<16xi1>, vector<16xi32>
          %mul3A_149 = arith.constant 4 : i32
          %mul3A_150 = arith.muli %scan3A_121, %mul3A_149 : i32
          %add3A_151 = arith.constant 1 : i32
          %add3A_152 = arith.addi %mul3A_150, %add3A_151 : i32
          %mul3A_153 = arith.constant 16 : i32
          %mul3A_154 = arith.muli %add3A_152, %mul3A_153 : i32
          %get3A_155 = arith.index_cast %mul3A_154 : i32 to index
          %get3A_156 = tpu.vector_load %arg6[%get3A_155] {strides = array<i32>} : memref<16384xf32, #tpu.memory_space<vmem>>, vector<16xf32>,
          %sub3A_157 = arith.subf %get3A_156, %scan3A_72 : vector<16xf32>
          %get3A_158 = arith.index_cast %mul3A_154 : i32 to index
          %get3A_159 = tpu.vector_load %arg7[%get3A_158] {strides = array<i32>} : memref<16384xf32, #tpu.memory_space<vmem>>, vector<16xf32>,
          %sub3A_160 = arith.subf %get3A_159, %scan3A_73 : vector<16xf32>
          %get3A_161 = arith.index_cast %mul3A_154 : i32 to index
          %get3A_162 = tpu.vector_load %arg8[%get3A_161] {strides = array<i32>} : memref<16384xf32, #tpu.memory_space<vmem>>, vector<16xf32>,
          %sub3A_163 = arith.subf %get3A_162, %scan3A_74 : vector<16xf32>
          %mul3A_164 = arith.mulf %sub3A_157, %sub3A_157 : vector<16xf32>
          %mul3A_165 = arith.mulf %sub3A_160, %sub3A_160 : vector<16xf32>
          %add3A_166 = arith.addf %mul3A_164, %mul3A_165 : vector<16xf32>
          %mul3A_167 = arith.mulf %sub3A_163, %sub3A_163 : vector<16xf32>
          %add3A_168 = arith.addf %add3A_166, %mul3A_167 : vector<16xf32>
          %get3A_169 = arith.index_cast %mul3A_154 : i32 to index
          %get3A_170 = tpu.vector_load %arg9[%get3A_169] {strides = array<i32>} : memref<16384xf32, #tpu.memory_space<vmem>>, vector<16xf32>,
          %min3A_171 = arith.minimumf %get3A_170, %add3A_168 : vector<16xf32>
          %swap3A_172 = arith.index_cast %mul3A_154 : i32 to index
          %swap3A_173 = tpu.vector_load %arg9[%swap3A_172] {strides = array<i32>} : memref<16384xf32, #tpu.memory_space<vmem>>, vector<16xf32>,
          tpu.vector_store %arg9[%swap3A_172], %min3A_171 {strides = array<i32>} : memref<16384xf32, #tpu.memory_space<vmem>>, vector<16xf32>,
          %gt3A_174 = arith.cmpf ogt, %min3A_171, %select_n3A_145 : vector<16xf32>
          %select_n3A_175 = arith.select %gt3A_174, %min3A_171, %select_n3A_145 : vector<16xi1>, vector<16xf32>
          %add3A_176 = vector.broadcast %mul3A_154 : i32 to vector<16xi32>
          %add3A_177 = arith.addi %add3A_176, %iota3A : vector<16xi32>
          %select_n3A_178 = arith.select %gt3A_174, %add3A_177, %select_n3A_148 : vector<16xi1>, vector<16xi32>
          %mul3A_179 = arith.constant 4 : i32
          %mul3A_180 = arith.muli %scan3A_121, %mul3A_179 : i32
          %add3A_181 = arith.constant 2 : i32
          %add3A_182 = arith.addi %mul3A_180, %add3A_181 : i32
          %mul3A_183 = arith.constant 16 : i32
          %mul3A_184 = arith.muli %add3A_182, %mul3A_183 : i32
          %get3A_185 = arith.index_cast %mul3A_184 : i32 to index
          %get3A_186 = tpu.vector_load %arg6[%get3A_185] {strides = array<i32>} : memref<16384xf32, #tpu.memory_space<vmem>>, vector<16xf32>,
          %sub3A_187 = arith.subf %get3A_186, %scan3A_72 : vector<16xf32>
          %get3A_188 = arith.index_cast %mul3A_184 : i32 to index
          %get3A_189 = tpu.vector_load %arg7[%get3A_188] {strides = array<i32>} : memref<16384xf32, #tpu.memory_space<vmem>>, vector<16xf32>,
          %sub3A_190 = arith.subf %get3A_189, %scan3A_73 : vector<16xf32>
          %get3A_191 = arith.index_cast %mul3A_184 : i32 to index
          %get3A_192 = tpu.vector_load %arg8[%get3A_191] {strides = array<i32>} : memref<16384xf32, #tpu.memory_space<vmem>>, vector<16xf32>,
          %sub3A_193 = arith.subf %get3A_192, %scan3A_74 : vector<16xf32>
          %mul3A_194 = arith.mulf %sub3A_187, %sub3A_187 : vector<16xf32>
          %mul3A_195 = arith.mulf %sub3A_190, %sub3A_190 : vector<16xf32>
          %add3A_196 = arith.addf %mul3A_194, %mul3A_195 : vector<16xf32>
          %mul3A_197 = arith.mulf %sub3A_193, %sub3A_193 : vector<16xf32>
          %add3A_198 = arith.addf %add3A_196, %mul3A_197 : vector<16xf32>
          %get3A_199 = arith.index_cast %mul3A_184 : i32 to index
          %get3A_200 = tpu.vector_load %arg9[%get3A_199] {strides = array<i32>} : memref<16384xf32, #tpu.memory_space<vmem>>, vector<16xf32>,
          %min3A_201 = arith.minimumf %get3A_200, %add3A_198 : vector<16xf32>
          %swap3A_202 = arith.index_cast %mul3A_184 : i32 to index
          %swap3A_203 = tpu.vector_load %arg9[%swap3A_202] {strides = array<i32>} : memref<16384xf32, #tpu.memory_space<vmem>>, vector<16xf32>,
          tpu.vector_store %arg9[%swap3A_202], %min3A_201 {strides = array<i32>} : memref<16384xf32, #tpu.memory_space<vmem>>, vector<16xf32>,
          %gt3A_204 = arith.cmpf ogt, %min3A_201, %select_n3A_175 : vector<16xf32>
          %select_n3A_205 = arith.select %gt3A_204, %min3A_201, %select_n3A_175 : vector<16xi1>, vector<16xf32>
          %add3A_206 = vector.broadcast %mul3A_184 : i32 to vector<16xi32>
          %add3A_207 = arith.addi %add3A_206, %iota3A : vector<16xi32>
          %select_n3A_208 = arith.select %gt3A_204, %add3A_207, %select_n3A_178 : vector<16xi1>, vector<16xi32>
          %mul3A_209 = arith.constant 4 : i32
          %mul3A_210 = arith.muli %scan3A_121, %mul3A_209 : i32
          %add3A_211 = arith.constant 3 : i32
          %add3A_212 = arith.addi %mul3A_210, %add3A_211 : i32
          %mul3A_213 = arith.constant 16 : i32
          %mul3A_214 = arith.muli %add3A_212, %mul3A_213 : i32
          %get3A_215 = arith.index_cast %mul3A_214 : i32 to index
          %get3A_216 = tpu.vector_load %arg6[%get3A_215] {strides = array<i32>} : memref<16384xf32, #tpu.memory_space<vmem>>, vector<16xf32>,
          %sub3A_217 = arith.subf %get3A_216, %scan3A_72 : vector<16xf32>
          %get3A_218 = arith.index_cast %mul3A_214 : i32 to index
          %get3A_219 = tpu.vector_load %arg7[%get3A_218] {strides = array<i32>} : memref<16384xf32, #tpu.memory_space<vmem>>, vector<16xf32>,
          %sub3A_220 = arith.subf %get3A_219, %scan3A_73 : vector<16xf32>
          %get3A_221 = arith.index_cast %mul3A_214 : i32 to index
          %get3A_222 = tpu.vector_load %arg8[%get3A_221] {strides = array<i32>} : memref<16384xf32, #tpu.memory_space<vmem>>, vector<16xf32>,
          %sub3A_223 = arith.subf %get3A_222, %scan3A_74 : vector<16xf32>
          %mul3A_224 = arith.mulf %sub3A_217, %sub3A_217 : vector<16xf32>
          %mul3A_225 = arith.mulf %sub3A_220, %sub3A_220 : vector<16xf32>
          %add3A_226 = arith.addf %mul3A_224, %mul3A_225 : vector<16xf32>
          %mul3A_227 = arith.mulf %sub3A_223, %sub3A_223 : vector<16xf32>
          %add3A_228 = arith.addf %add3A_226, %mul3A_227 : vector<16xf32>
          %get3A_229 = arith.index_cast %mul3A_214 : i32 to index
          %get3A_230 = tpu.vector_load %arg9[%get3A_229] {strides = array<i32>} : memref<16384xf32, #tpu.memory_space<vmem>>, vector<16xf32>,
          %min3A_231 = arith.minimumf %get3A_230, %add3A_228 : vector<16xf32>
          %swap3A_232 = arith.index_cast %mul3A_214 : i32 to index
          %swap3A_233 = tpu.vector_load %arg9[%swap3A_232] {strides = array<i32>} : memref<16384xf32, #tpu.memory_space<vmem>>, vector<16xf32>,
          tpu.vector_store %arg9[%swap3A_232], %min3A_231 {strides = array<i32>} : memref<16384xf32, #tpu.memory_space<vmem>>, vector<16xf32>,
          %gt3A_234 = arith.cmpf ogt, %min3A_231, %select_n3A_205 : vector<16xf32>
          %select_n3A_235 = arith.select %gt3A_234, %min3A_231, %select_n3A_205 : vector<16xi1>, vector<16xf32>
          %add3A_236 = vector.broadcast %mul3A_214 : i32 to vector<16xi32>
          %add3A_237 = arith.addi %add3A_236, %iota3A : vector<16xi32>
          %select_n3A_238 = arith.select %gt3A_234, %add3A_237, %select_n3A_208 : vector<16xi1>, vector<16xi32>
          scf.yield %select_n3A_235, %select_n3A_238 : vector<16xf32>, vector<16xi32>
        }
        %scan3A_96 = arith.constant 256 : i32
        %reduce_max3A_97 = arith.constant true
        %reduce_max3A_98 = vector.broadcast %reduce_max3A_97 : i1 to vector<16xi1>
        %reduce_max3A_99 = tpu.scan <max>, %scan3A_95#0 masked %reduce_max3A_98 : vector<16xf32>, vector<16xi1> -> vector<16xf32>
        %reduce_max3A_100 = vector.extract %reduce_max3A_99[15] : f32 from vector<16xf32>
        %eq3A_101 = vector.broadcast %reduce_max3A_100 : f32 to vector<16xf32>
        %eq3A_102 = arith.cmpf oeq, %scan3A_95#0, %eq3A_101 : vector<16xf32>
        %jit3A_103 = arith.constant 2147483647 : i32
        %broadcast_in_dim3A_104 = vector.broadcast %jit3A_103 : i32 to vector<16xi32>
        %select_n3A_105 = arith.select %eq3A_102, %scan3A_95#1, %broadcast_in_dim3A_104 : vector<16xi1>, vector<16xi32>
        %reduce_min3A_106 = arith.constant true
        %reduce_min3A_107 = vector.broadcast %reduce_min3A_106 : i1 to vector<16xi1>
        %reduce_min3A_108 = arith.constant -2147483648 : i32
        %reduce_min3A_109 = vector.broadcast %reduce_min3A_108 : i32 to vector<16xi32>
        %reduce_min3A_110 = arith.xori %select_n3A_105, %reduce_min3A_109 : vector<16xi32>
        %reduce_min3A_111 = tpu.scan <min>, %reduce_min3A_110 masked %reduce_min3A_107 : vector<16xi32>, vector<16xi1> -> vector<16xi32>
        %reduce_min3A_112 = arith.xori %reduce_min3A_111, %reduce_min3A_109 : vector<16xi32>
        %reduce_min3A_113 = vector.extract %reduce_min3A_112[15] : i32 from vector<16xi32>
        %broadcast_in_dim3A_114 = arith.constant 0 : i32
        %broadcast_in_dim3A_115 = vector.broadcast %broadcast_in_dim3A_114 : i32 to vector<16xi32>
        %add3A_116 = vector.broadcast %reduce_min3A_113 : i32 to vector<16xi32>
        %add3A_117 = arith.addi %add3A_116, %broadcast_in_dim3A_115 : vector<16xi32>
        %gather3A_118 = tpu.vector_load_idx %arg6[%add3A_117] : memref<16384xf32, #tpu.memory_space<vmem>>[vector<16xi32>], vector<16xf32>,
        %gather3A_119 = tpu.vector_load_idx %arg7[%add3A_117] : memref<16384xf32, #tpu.memory_space<vmem>>[vector<16xi32>], vector<16xf32>,
        %gather3A_120 = tpu.vector_load_idx %arg8[%add3A_117] : memref<16384xf32, #tpu.memory_space<vmem>>[vector<16xi32>], vector<16xf32>,
        scf.yield %gather3A_118, %gather3A_119, %gather3A_120 : vector<16xf32>, vector<16xf32>, vector<16xf32>
      }
      %scan3A_68 = arith.constant 256 : i32
      %mul3A_69 = arith.constant 768 : i32
      %mul3A_70 = arith.muli %add3A, %mul3A_69 : i32
      "tpu.region"() ({
        %run_scoped3A = tpu.sem_alloc : memref<!tpu.dma_semaphore, #tpu.memory_space<semaphore_mem>>
        %dma_start3A = tpu.memref_slice %arg5[%mul3A_70] : memref<6144xf32, #tpu.memory_space<hbm>> -> memref<768xf32, #tpu.memory_space<hbm>>
        %dma_start3A_71 = tpu.memref_slice %arg5[%mul3A_70] : memref<6144xf32, #tpu.memory_space<hbm>> -> memref<768xf32, #tpu.memory_space<hbm>>
        tpu.enqueue_dma source(%arg10 : memref<768xf32, #tpu.memory_space<vmem>>) target(%dma_start3A_71 : memref<768xf32, #tpu.memory_space<hbm>>) target_semaphore(%run_scoped3A : memref<!tpu.dma_semaphore, #tpu.memory_space<semaphore_mem>>)
        %dma_wait3A = tpu.memref_slice %arg5[%mul3A_70] : memref<6144xf32, #tpu.memory_space<hbm>> -> memref<768xf32, #tpu.memory_space<hbm>>
        %dma_wait3A_72 = tpu.memref_slice %arg5[%mul3A_70] : memref<6144xf32, #tpu.memory_space<hbm>> -> memref<768xf32, #tpu.memory_space<hbm>>
        tpu.wait_dma2 semaphore(%run_scoped3A : memref<!tpu.dma_semaphore, #tpu.memory_space<semaphore_mem>>) src(%arg10 : memref<768xf32, #tpu.memory_space<vmem>>) dst(%dma_wait3A_72 : memref<768xf32, #tpu.memory_space<hbm>>)
        tpu.yield
      }) : () -> ()
    } else {
    }
    return
  }
}

</mosaic_0001>

<sc_bundles>
// kernel: _fps_centers.3.cloned.1.call-start
scs
__scs_entry_jumppad:
0x0: {  	(pc) =	sbr.rel $0x88, $3  }
0x1: {  	(tag) =	ssettag $0x0;
	lr =	simm.s32 $0x1  }
0x2: {  	[smem:$0x3F9E] =	sst lr;
	_ =	strace $0xD0000000  }
0x3: {  	_ = 	snop  }
0x4: {  	_ = 	snop  }
0x5: {  	_ = 	snop  }
0x6: {  	_ = 	snop  }
0x7: {  	_ = 	snop  }
__scs_overlays_trampoline_lowered:
0x8: {  	[smem:$0x3FAD] =	sst s0  }
0x9: {  	[smem:$0x3FAE] =	sst s1  }
0xa: {  	[smem:$0x3FAF] =	sst s2  }
0xb: {  	[smem:$0x3FB0] =	sst s3  }
0xc: {  	[smem:$0x3FB1] =	sst s4  }
0xd: {  	[smem:$0x3FB2] =	sst s5  }
0xe: {  	[smem:$0x3FB3] =	sst s6  }
0xf: {  	[smem:$0x3FB4] =	sst s7  }
0x10: {  	[smem:$0x3FB5] =	sst s8  }
0x11: {  	[smem:$0x3FB6] =	sst s9;
	s0 =	simm.s32 @!p0 $0x0  }
0x12: {  	s1 =	sld [smem:$0x3F9C];
	s0 =	simm.s32 @p0 $0x1  }
0x13: {  	[smem:$0x3FB7] =	sst s0;
	s0 =	simm.s32 @!p1 $0x0  }
0x14: {  	s2 =	sld [smem:$0x3F9B];
	s0 =	simm.s32 @p1 $0x1  }
0x15: {  	[smem:$0x3FB8] =	sst s0;
	s0 =	simm.s32 @!p2 $0x0  }
0x16: {  	s3 =	sld [smem:$0x3FDB];
	s0 =	simm.s32 @p2 $0x1  }
0x17: {  	s4 =	simm.s32 $0x1BF5;
	[smem:$0x3FBA] =	sst s0  }
0x18: {  	s0 =	sld [smem:$0x3F9D];
	_ =	swait.ge [sflag:s4], $0x0  }
0x19: {  	s7 =	sld [smem:$0x3F9E]  }
0x1a: {  	s8 =	sadd.s32 $0xFFFFE003, lr  }
0x1b: {  	s9 =	sadd.s32 $0xFFFFFEF7, lr;
	s5 =	simm.s32 $0xFFFFFFFF;
	p2 =	slt.u32 s8, $0xFFFFF086  }
0x1c: {  	p1 =	slt.u32 s9, $0xF7A;
	s5 =	simm.s32 @!p2 $0x0  }
0x1d: {  	s5 =	simm.s32 @p1 $0x1;
	p0 =	seq.s32 s7, s2  }
0x1e: {  	s7 =	smul.u32 @!p0 $0xF7A, s2;
	p2 =	seq.s32 @!p0 s5, $0x0  }
0x1f: {  	s9 =	smul.u32 $0xF7A, s1;
	s8 =	simm.s32 @!p0 $0x1BF5;
	p2 =	por !p2, p0  }
0x20: {  	[sflag:s8] =	ssyncset.s32 @!p0 $0xFFFFF086;
	s6 =	sadd.s32 @!p0 s3, s7;
	s7 =	simm.s32 @!p0 $0x108  }
0x21: {  	s3 =	sadd.s32 s3, s9;
	s6 =	sadd.s32 @!p0 $0x88, s6;
	s7 =	simm.s32 @p2 $0x1082  }
0x22: {  	[simem:s7], [sflag:s8] =	dma.local @!p0 [hbm:s6], $0xF7A  }
0x23: {  	s9 =	sor.u32 $0xD0000000, s2;
	s6 =	simm.s32 $0x108;
	_ =	swait.ge @!p0 [sflag:s8], $0x0  }
0x24: {  	s3 =	sadd.s32 $0x88, s3;
	s6 =	simm.s32 @!p1 $0x1082;
	[sflag:s4] =	ssyncset.s32 $0xFFFFF086  }
0x25: {  	[simem:s6], [sflag:s4] =	dma.local [hbm:s3], $0xF7A  }
0x26: {  	[smem:$0x3F9E] =	sst s1;
	(tag) =	ssettag s2;
	_ =	strace s9  }
0x27: {  	s1 =	sld [smem:$0x3FAE]  }
0x28: {  	s2 =	sld [smem:$0x3FAF]  }
0x29: {  	s4 =	sld [smem:$0x3FB1]  }
0x2a: {  	p0 =	seq.s32 s5, $0x0;
	s5 =	sld [smem:$0x3FB2]  }
0x2b: {  	s6 =	sld [smem:$0x3FB3]  }
0x2c: {  	s7 =	sld [smem:$0x3FB4]  }
0x2d: {  	s3 =	simm.s32 $0x108;
	s8 =	sld [smem:$0x3FB5]  }
0x2e: {  	s3 =	simm.s32 @!p0 $0x1082;
	s9 =	sld [smem:$0x3FB6]  }
0x2f: {  	lr =	sadd.s32 s0, s3;
	s0 =	sld [smem:$0x3FAD]  }
0x30: {  	s3 =	sld [smem:$0x3FB0]  }
0x31: {  	[smem:$0x3FB9] =	sst s10  }
0x32: {  	s10 =	sld [smem:$0x3FB7];
	_ =	sdelay $0x3  }
0x33: {  	p0 =	seq.s32 s10, $0x1;
	s10 =	sld [smem:$0x3FB9];
	_ =	sdelay $0x3  }
0x34: {  	[smem:$0x3FB9] =	sst s10  }
0x35: {  	s10 =	sld [smem:$0x3FB8];
	_ =	sdelay $0x3  }
0x36: {  	p1 =	seq.s32 s10, $0x1;
	s10 =	sld [smem:$0x3FB9];
	_ =	sdelay $0x3  }
0x37: {  	[smem:$0x3FB9] =	sst s10  }
0x38: {  	s10 =	sld [smem:$0x3FBA]  }
0x39: {  	_ = 	snop;
	(pc) =	sbr.ind lr, $3  }
0x3a: {  	_ = 	snop  }
0x3b: {  	_ = 	snop  }
0x3c: {  	p2 =	seq.s32 s10, $0x1;
	s10 =	sld [smem:$0x3FB9]  }
0x3d: {  	_ =	shalt  }
0x3e: {  	_ =	shalt  }
0x3f: {  	_ =	shalt  }
0x40: {  	_ =	shalt  }
0x41: {  	_ =	shalt  }
0x42: {  	_ =	shalt  }
0x43: {  	_ =	shalt  }
0x44: {  	_ =	shalt  }
0x45: {  	_ =	shalt  }
0x46: {  	_ =	shalt  }
0x47: {  	_ =	shalt  }
0x48: {  	_ =	shalt  }
0x49: {  	_ =	shalt  }
0x4a: {  	_ =	shalt  }
0x4b: {  	_ =	shalt  }
0x4c: {  	_ =	shalt  }
0x4d: {  	_ =	shalt  }
0x4e: {  	_ =	shalt  }
0x4f: {  	_ =	shalt  }
0x50: {  	_ =	shalt  }
0x51: {  	_ =	shalt  }
0x52: {  	_ =	shalt  }
0x53: {  	_ =	shalt  }
0x54: {  	_ =	shalt  }
0x55: {  	_ =	shalt  }
0x56: {  	_ =	shalt  }
0x57: {  	_ =	shalt  }
0x58: {  	_ =	shalt  }
0x59: {  	_ =	shalt  }
0x5a: {  	_ =	shalt  }
0x5b: {  	_ =	shalt  }
0x5c: {  	_ =	shalt  }
0x5d: {  	_ =	shalt  }
0x5e: {  	_ =	shalt  }
0x5f: {  	_ =	shalt  }
0x60: {  	_ =	shalt  }
0x61: {  	_ =	shalt  }
0x62: {  	_ =	shalt  }
0x63: {  	_ =	shalt  }
0x64: {  	_ =	shalt  }
0x65: {  	_ =	shalt  }
0x66: {  	_ =	shalt  }
0x67: {  	_ =	shalt  }
0x68: {  	_ =	shalt  }
0x69: {  	_ =	shalt  }
0x6a: {  	_ =	shalt  }
0x6b: {  	_ =	shalt  }
0x6c: {  	_ =	shalt  }
0x6d: {  	_ =	shalt  }
0x6e: {  	_ =	shalt  }
0x6f: {  	_ =	shalt  }
0x70: {  	_ =	shalt  }
0x71: {  	_ =	shalt  }
0x72: {  	_ =	shalt  }
0x73: {  	_ =	shalt  }
0x74: {  	_ =	shalt  }
0x75: {  	_ =	shalt  }
0x76: {  	_ =	shalt  }
0x77: {  	_ =	shalt  }
0x78: {  	_ =	shalt  }
0x79: {  	_ =	shalt  }
0x7a: {  	_ =	shalt  }
0x7b: {  	_ =	shalt  }
0x7c: {  	_ =	shalt  }
0x7d: {  	_ =	shalt  }
0x7e: {  	_ =	shalt  }
0x7f: {  	_ =	shalt  }
0x80: {  	_ =	shalt  }
0x81: {  	_ =	shalt  }
0x82: {  	_ =	shalt  }
0x83: {  	_ =	shalt  }
0x84: {  	_ =	shalt  }
0x85: {  	_ =	shalt  }
0x86: {  	_ =	shalt  }
0x87: {  	_ =	shalt  }
.Lfunc_end0:
.L_simem_size_0:
called_computation_lowered:
.L_overlay_start_0:
0x88: {  	s2 =	sld [smem:$0x3FD9]  }
0x89: {  	s3 =	sld [smem:$0x3FFE];
	_ =	sdelay $0x1  }
0x8a: {  	s1 =	srdreg.scid  }
0x8b: {  	s0 =	sand.u32 $0x1, s1  }
0x8c: {  	s18 =	sshll.u32 s0, $0xA;
	s2 =	sadd.s32 s3, s2  }
0x8d: {  	s2 =	sadd.s32 s2, s18  }
0x8e: {  	[smem:$0x3FC5] =	sst s2  }
0x8f: {  	_ = 	snop  }
0x90: {  	s2 =	sld [smem:$0x3FC9]  }
0x91: {  	s19 =	sld [smem:$0x3FC8]  }
0x92: {  	s4 =	sld [smem:$0x3FC7]  }
0x93: {  	s5 =	sld [smem:$0x3FD0];
	(tm) =	ssettm $0x1  }
0x94: {  	s6 =	sld [smem:$0x3FFB];
	_ =	sdelay $0x3  }
0x95: {  	_ =	strace s6  }
0x96: {  	s6 =	sld [smem:$0x3FFC];
	_ =	sdelay $0x3  }
0x97: {  	_ =	strace s6  }
0x98: {  	s6 =	sld [smem:$0x3FFD];
	_ =	sdelay $0x3  }
0x99: {  	_ =	strace s6  }
0x9a: {  	_ =	strace $0x8FFFFFFF  }
0x9b: {  	s20 =	sld [smem:$0x3FDB];
	_ =	sdelay $0x1  }
0x9c: {  	s7 =	simm.s32 $_scs_section_size  }
0x9d: {  	s8 =	simm.s32 $_size__tile_overlayer_lowered;
	s9 =	simm.s32 $_tile_overlayer_lowered  }
0x9e: {  	s23 =	simm.s32 $0x1BFF;
	s22 =	sshll.u32 s9, $0x1;
	s6 =	sadd.s32 s7, s20  }
0x9f: {  	s10 =	simm.s32 $0x0;
	s21 =	sshll.u32 s8, $0x1;
	s8 =	sadd.s32 s22, s6  }
0xa0: {  	[timem:s10], [sflag:s23] =	dma.local [hbm:s8], s21  }
0xa1: {  	_ =	swait.ge [sflag:s23], s21  }
0xa2: {  	s7 =	ssub.s32 $0x0, s21;
	[sflag:s23] =	ssyncset.done $0x0  }
0xa3: {  	[sflag:s23] =	ssyncadd.s32 s7;
	_ =	sdelay $0x1  }
0xa4: {  	s24 =	simm.s32 $0x1B8B  }
0xa5: {  	_ =	swait.ge [sflag:s24], $0x1  }
0xa6: {  	[sflag:s24] =	ssyncset.done $0x0  }
0xa7: {  	s25 =	simm.s32 $0x1B8E;
	[sflag:s24] =	ssyncadd.s32 $0xFFFFFFFF  }
0xa8: {  	s26 =	simm.s32 $execute0_lowered;
	[smem:$0x3FD2] =	sst s25  }
0xa9: {  	s7 =	sshll.u32 s26, $0x1;
	_ =	strace $0x80000046;
	[dreg:$0x1] =	wrdreg $0xFFFFFFFF  }
0xaa: {  	s28 =	simm.s32 $_size_execute0_lowered;
	s6 =	sadd.s32 s6, s7;
	[dreg:$0x0] =	wrdreg $0x0  }
0xab: {  	s7 =	sshll.u32 s28, $0x1;
	[dreg:$0x2] =	wrdreg s6  }
0xac: {  	[dreg:$0x3] =	wrdreg s7  }
0xad: {  	[dreg:$0x4] =	wrdreg $0xC0  }
0xae: {  	_ =	task [dreg:s10], $0x5FFFF  }
0xaf: {  	[dreg:$0x1] =	wrdreg $0xFFFFFFFF  }
0xb0: {  	[dreg:$0x0] =	wrdreg $0x60  }
0xb1: {  	[dreg:$0x2] =	wrdreg s2  }
0xb2: {  	[dreg:$0x3] =	wrdreg s19  }
0xb3: {  	[dreg:$0x4] =	wrdreg s4  }
0xb4: {  	[dreg:$0x5] =	wrdreg s5  }
0xb5: {  	[dreg:$0x6] =	wrdreg $0x9  }
0xb6: {  	_ =	task.clear_ibuf [dreg:s10], $0x7FFFF;
	_ =	strace $0x90000046  }
0xb7: {  	s29 =	simm.s32 $0x9;
	_ =	strace $0x80000048  }
0xb8: {  	_ =	swait.ge [sflag:s29], $0x1  }
0xb9: {  	[sflag:s29] =	ssyncadd.s32 $0xFFFFFFFF  }
0xba: {  	_ =	strace $0x90000048  }
0xbb: {  	_ =	sfence  }
0xbc: {  	s30 =	sld [smem:$0x0];
	_ =	sdelay $0x2  }
0xbd: {  	s31 =	sshll.u32 s1, $0xD;
	s1 =	sshrl.u32 s1, $0x2  }
0xbe: {  	s3 =	sand.u32 $0x4000, s31;
	s1 =	sadd.s32 s1, s30  }
0xbf: {  	s0 =	sor.u32 s3, s0;
	s1 =	sshll.u32 s1, $0x11  }
0xc0: {  	s0 =	sor.u32 s1, s0  }
0xc1: {  	s0 =	sadd.s32 $0x8F2B, s0  }
0xc2: {  	[sflag:s0] =	ssyncadd.remote.s32 $0x1  }
0xc3: {  	_ =	sfence.sel $0xFFFF  }
0xc4: {  	[dreg:$0x0] =	wrdreg $0xFFFFFFFF;
	(pc) =	sbr.abs _section_cstart, $3  }
0xc5: {  	[dreg:$0x1] =	wrdreg $0xFFFFFFFF  }
0xc6: {  	_ =	task.clear_ibuf [dreg:s10], $0x2FFFF;
	_ =	strace $0x9FFFFFFF  }
0xc7: {  	(tm) =	ssettm $0x7FFFFFFF  }
tec
execute0_lowered:
.L_overlay_start_1:
0x0: {  	(tag) =	ssettag $0x1  }
0x1: {  	s1 =	stileid.u32  }
0x2: {  	s6 =	rddreg [dreg:$0x0];
	p0 =	sgt.u32 s1, $0x3  }
.Ltmp0:
0x3: {  	s3 =	rddreg [dreg:$0x1];
	(pc) =	sbr.rel @p0 .LBB2_13-.Ltmp0, $4  }
0x4: {  	s4 =	rddreg [dreg:$0x2]  }
0x5: {  	s5 =	rddreg [dreg:$0x3];
	s2 =	simm.s32 $0x0  }
0x6: {  	[smem:$0x7FF] =	sst s2  }
0x7: {  	s0 =	rddreg [dreg:$0x4];
	_ =	strace $0x80000047  }
0x8: {  	s7 =	srdreg.scid  }
0x9: {  	s11 =	simm.s32 $0x4000;
	s7 =	sand.u32 $0x1, s7  }
0xa: {  	s12 =	simm.s32 $0x8000;
	s13 =	simm.s32 $0x10000;
	s8 =	sshll.u32 s7, $0x2  }
0xb: {  	s14 =	simm.s32 $0x0;
	s7 =	ssub.s32 $0x2, s7;
	s8 =	sadd.s32 s1, s8  }
0xc: {  	s10 =	sshrl.u32 s7, $0x1;
	s9 =	sshll.u32 s8, $0x4;
	s8 =	smul.u32 $0x60, s8  }
0xd: {  	s7 =	ssub.s32 s7, s10;
	s10 =	simm.s32 $0x1;
	s3 =	sadd.s32 s3, s9  }
0xe: {  	s4 =	sadd.s32 s4, s9;
	s6 =	sadd.s32 s6, s9;
	s7 =	smax.u32 s7, $0x1  }
0xf: {  	v0 =	vimm.f32 $1.000000000e+10;
	v1 =	vlaneseq.u32;
	s9 =	simm.s32 $0x400;
	s5 =	sadd.s32 s5, s8;
	s8 =	simm.s32 $0x80  }
.LBB2_2:
0x10: {  	s15 =	simm.s32 $0x0  }
0x11: {  	[tilespmem:s15], [sflag:$0x1] =	stream.strided.gather [hbm4b:s6+s8], $0x4000, s9, s8, $0x38;
	[tilespmem:$0x10300] =	vst v63  }
0x12: {  	_ =	swait.ge [sflag:s10], $0x4000  }
0x13: {  	[sflag:s10] =	ssyncset.done $0x0  }
0x14: {  	[sflag:s10] =	ssyncadd.s32 $0xFFFFC000  }
0x15: {  	[tilespmem:s11], [sflag:$0x1] =	stream.strided.gather [hbm4b:s3+s8], $0x4000, s9, s8, $0x38;
	[tilespmem:$0x10300] =	vst v63  }
0x16: {  	_ =	swait.ge [sflag:s10], $0x4000  }
0x17: {  	[sflag:s10] =	ssyncset.done $0x0  }
0x18: {  	[sflag:s10] =	ssyncadd.s32 $0xFFFFC000  }
0x19: {  	[tilespmem:s12], [sflag:$0x1] =	stream.strided.gather [hbm4b:s4+s8], $0x4000, s9, s8, $0x38;
	[tilespmem:$0x10300] =	vst v63  }
0x1a: {  	_ =	swait.ge [sflag:s10], $0x4000  }
0x1b: {  	[sflag:s10] =	ssyncset.done $0x0  }
0x1c: {  	[sflag:s10] =	ssyncadd.s32 $0xFFFFC000  }
.LBB2_3:
0x1d: {  	p0 =	sne.s32 s15, $0xFFC0  }
.Ltmp1:
0x1e: {  	_ = 	snop;
	(pc) =	sbr.rel @p0 .LBB2_3-.Ltmp1, $3  }
0x1f: {  	_ =	sdelay $0x1  }
0x20: {  	s16 =	sshra.s32 s15, $0x2  }
0x21: {  	s15 =	sadd.s32 $0x40, s15;
	[tilespmem:s16+$0xC000] =	vst v0  }
0x22: {  	s16 =	simm.s32 $0x0  }
0x23: {  	v3 =	vld [tilespmem:s16+$0x8000]  }
0x24: {  	v4 =	vld [tilespmem:s16+$0x0]  }
0x25: {  	v2 =	vimm.f32 $0.0e+00;
	s15 =	simm.s32 $0x40;
	v5 =	vimm.f32 $0.0e+00;
	v6 =	vimm.f32 $0.0e+00;
	v7 =	vld [tilespmem:s16+$0x4000]  }
.LBB2_5:
0x26: {  	p0 =	sne.s32 s15, $0xFFC0  }
.Ltmp2:
0x27: {  	_ = 	snop;
	(pc) =	sbr.rel @p0 .LBB2_5-.Ltmp2, $4  }
0x28: {  	s16 =	sshra.s32 s15, $0x2  }
0x29: {  	v2 =	vadd.f32 v3, v2;
	v3 =	vld [tilespmem:s16+$0x8000]  }
0x2a: {  	v5 =	vadd.f32 v4, v5;
	v4 =	vld [tilespmem:s16+$0x0]  }
0x2b: {  	s15 =	sadd.s32 $0x40, s15;
	v6 =	vadd.f32 v7, v6;
	v7 =	vld [tilespmem:s16+$0x4000]  }
0x2c: {  	_ =	sdelay $0x2  }
0x2d: {  	v4 =	vadd.f32 v4, v5  }
0x2e: {  	v5 =	vadd.f32 v7, v6  }
0x2f: {  	v2 =	vadd.f32 v3, v2;
	(xrf2) =	vadd.scan.msk.f32 $0xffff, v4  }
0x30: {  	(xrf2) =	vadd.scan.msk.f32 $0xffff, v5  }
0x31: {  	(xrf2) =	vadd.scan.msk.f32 $0xffff, v2;
	_ =	sdelay $0x7  }
0x32: {  	v2, _, _ =	vpop (xrf2)  }
0x33: {  	v3, _, _ =	vpop (xrf2);
	(v2sf) =	vpush v2, $0xF  }
0x34: {  	(v2sf) =	vpush v3, $0xF;
	v2, _, _ =	vpop (xrf2)  }
0x35: {  	(v2sf) =	vpush v2, $0xF;
	_ =	sdelay $0xa  }
0x36: {  	s16 =	simm.s32 $0x4000  }
0x37: {  	s15 =	simm.s32 $0x0;
	v4 =	vld [tilespmem:s16+$0x0]  }
0x38: {  	s18 =	simm.s32 $0x8000;
	v2 =	vld [tilespmem:s15+$0x0];
	s17 =	spop (v2sf)  }
0x39: {  	v7 =	vld [tilespmem:s18+$0x0];
	s30 =	spop (v2sf);
	s17 =	smul.f32 $6.103515630e-05, s17  }
0x3a: {  	s19 =	smul.f32 $6.103515630e-05, s30;
	s31 =	spop (v2sf)  }
0x3b: {  	s18 =	smul.f32 $6.103515630e-05, s31  }
0x3c: {  	s16 =	simm.s32 $0x10;
	v5 =	vmov s17;
	v3 =	vmov s19  }
0x3d: {  	v9 =	vld [tilespmem:s16+$0x0];
	s17 =	simm.s32 $0x4010;
	v2 =	vsub.f32 v2, v5;
	v4 =	vsub.f32 v4, v3;
	v6 =	vmov s18  }
0x3e: {  	s18 =	simm.s32 $0x8010;
	v11 =	vsub.f32 v7, v6;
	v7 =	vld [tilespmem:s17+$0x0]  }
0x3f: {  	v10 =	vmul.f32 v2, v2;
	v8 =	vld [tilespmem:s18+$0x0];
	v12 =	vmul.f32 v4, v4;
	_ =	sdelay $0x1  }
0x40: {  	v11 =	vmul.f32 v11, v11;
	v10 =	vadd.f32 v12, v10  }
0x41: {  	s20 =	simm.s32 $0x20;
	s19 =	simm.s32 $0x20;
	v9 =	vsub.f32 v9, v5;
	v2 =	vimm.s32 $0x0;
	v4 =	vimm.f32 $-1.000000000e+00  }
.LBB2_7:
0x42: {  	v12 =	vld [tilespmem:s20+$0x0];
	v13 =	vsub.f32 v7, v3;
	s17 =	sadd.s32 $0x10, s17;
	v10 =	vadd.f32 v11, v10;
	s21 =	smov.u32 s19;
	p0 =	sne.s32 s19, $0x3FF0  }
.Ltmp3:
0x43: {  	s19 =	sadd.s32 $0x10, s19;
	s18 =	sadd.s32 $0x10, s18;
	v14 =	vor.u32 s15, v1;
	v7 =	vld [tilespmem:s17+$0x0];
	v11 =	vsub.f32 v8, v6;
	(pc) =	sbr.rel @p0 .LBB2_7-.Ltmp3, $4  }
0x44: {  	s15 =	smov.u32 s16;
	v9 =	vmul.f32 v9, v9;
	s16 =	smov.u32 s21;
	v8 =	vld [tilespmem:s18+$0x0];
	v13 =	vmul.f32 v13, v13;
	vm0 =	vgt.f32 v10, v4  }
0x45: {  	v4 =	vsel vm0, v10, v4;
	v2 =	vsel vm0, v14, v2  }
0x46: {  	v11 =	vmul.f32 v11, v11;
	v10 =	vadd.f32 v13, v9  }
0x47: {  	s20 =	sadd.s32 $0x10, s20;
	v9 =	vsub.f32 v12, v5  }
0x48: {  	v3 =	vsub.f32 v7, v3;
	_ =	sdelay $0x1  }
0x49: {  	v5 =	vsub.f32 v8, v6;
	v6 =	vmul.f32 v9, v9;
	v3 =	vmul.f32 v3, v3;
	_ =	sdelay $0x1  }
0x4a: {  	v7 =	vadd.f32 v11, v10;
	v5 =	vmul.f32 v5, v5;
	v3 =	vadd.f32 v3, v6;
	_ =	sdelay $0x1  }
0x4b: {  	vm0 =	vgt.f32 v7, v4;
	v3 =	vadd.f32 v5, v3  }
0x4c: {  	v4 =	vsel vm0, v7, v4  }
0x4d: {  	vm1 =	vgt.f32 v3, v4  }
0x4e: {  	v3 =	vsel vm1, v3, v4  }
0x4f: {  	(xrf0) =	vmax.scan.msk.f32 $0xffff, v3;
	_ =	sdelay $0x5  }
0x50: {  	v4 =	vor.u32 s15, v1;
	v5, _, _ =	vpop (xrf0)  }
0x51: {  	v2 =	vsel vm0, v4, v2;
	v4 =	vor.u32 s16, v1;
	v5 =	vbroadcast v5, $0xF  }
0x52: {  	v2 =	vsel vm1, v4, v2  }
0x53: {  	v2 =	vxor.u32 $0x80000000, v2;
	vm15 =	veq.f32 v3, v5  }
0x54: {  	v2 =	vnsel vm15, $0xFFFFFFFF, v2  }
0x55: {  	(xrf0) =	vmin.scan.msk.u32 $0xffff, v2;
	_ =	sdelay $0x5  }
0x56: {  	v2, _, _ =	vpop (xrf0)  }
0x57: {  	(v2sf) =	vpush v2, $0xF;
	_ =	sdelay $0xe  }
0x58: {  	s31 =	spop (v2sf)  }
0x59: {  	s15 =	sxor.u32 $0x80000000, s31  }
0x5a: {  	v3 =	vmov s15;
	_ =	sdelay $0x3  }
0x5b: {  	s15 =	simm.s32 $0x0  }
0x5c: {  	v2 =	vld.idx.msk [tilespmem:v3+s15+$0x0], $0xffff  }
0x5d: {  	v4 =	vld.idx.msk [tilespmem:v3+s11+$0x0], $0xffff  }
0x5e: {  	v3 =	vld.idx.msk [tilespmem:v3+s12+$0x0], $0xffff  }
.LBB2_9:
0x5f: {  	s16 =	smul.u32 $0x3, s15;
	_ =	sdelay $0x1  }
0x60: {  	v5 =	vmov s16  }
0x61: {  	v6 =	vadd.s32 $0x1, v5  }
0x62: {  	v7 =	vadd.s32 $0x2, v5;
	_ =	sdelay $0x2  }
0x63: {  	[tilespmem:v5+s13+$0x0] =	vst.idx.msk $0x1, v2  }
0x64: {  	[tilespmem:v6+s13+$0x0] =	vst.idx.msk $0x1, v4  }
0x65: {  	s17 =	simm.s32 $0x20;
	[tilespmem:v7+s13+$0x0] =	vst.idx.msk $0x1, v3  }
0x66: {  	s23 =	simm.s32 $0x4020;
	v5 =	vld [tilespmem:s17+$0xFFFFFFE0]  }
0x67: {  	v6 =	vld [tilespmem:s23+$0xFFFFFFE0]  }
0x68: {  	s22 =	simm.s32 $0x8020  }
0x69: {  	v7 =	vld [tilespmem:s22+$0xFFFFFFE0];
	_ =	sdelay $0x2  }
0x6a: {  	v5 =	vsub.f32 v5, v2;
	v6 =	vsub.f32 v6, v4;
	_ =	sdelay $0x1  }
0x6b: {  	s21 =	simm.s32 $0xC020;
	v7 =	vsub.f32 v7, v3;
	v5 =	vmul.f32 v5, v5;
	v6 =	vmul.f32 v6, v6  }
0x6c: {  	v8 =	vld [tilespmem:s21+$0xFFFFFFE0]  }
0x6d: {  	v5 =	vadd.f32 v6, v5;
	v6 =	vmul.f32 v7, v7;
	_ =	sdelay $0x1  }
0x6e: {  	v5 =	vadd.f32 v6, v5;
	_ =	sdelay $0x1  }
0x6f: {  	v5 =	vmin.f32 v8, v5  }
0x70: {  	[tilespmem:s21+$0xFFFFFFE0] =	vst v5  }
0x71: {  	v6 =	vld [tilespmem:s17+$0xFFFFFFF0]  }
0x72: {  	v7 =	vld [tilespmem:s23+$0xFFFFFFF0];
	_ =	sdelay $0x1  }
0x73: {  	v8 =	vld [tilespmem:s22+$0xFFFFFFF0];
	_ =	sdelay $0x2  }
0x74: {  	v6 =	vsub.f32 v6, v2;
	v7 =	vsub.f32 v7, v4;
	_ =	sdelay $0x1  }
0x75: {  	v8 =	vsub.f32 v8, v3;
	v6 =	vmul.f32 v6, v6;
	v7 =	vmul.f32 v7, v7  }
0x76: {  	v9 =	vld [tilespmem:s21+$0xFFFFFFF0]  }
0x77: {  	v6 =	vadd.f32 v7, v6;
	v7 =	vmul.f32 v8, v8;
	_ =	sdelay $0x1  }
0x78: {  	v6 =	vadd.f32 v7, v6;
	_ =	sdelay $0x1  }
0x79: {  	v7 =	vmin.f32 v9, v6  }
0x7a: {  	[tilespmem:s21+$0xFFFFFFF0] =	vst v7  }
0x7b: {  	v6 =	vld [tilespmem:s17+$0x0]  }
0x7c: {  	v8 =	vld [tilespmem:s23+$0x0];
	_ =	sdelay $0x1  }
0x7d: {  	v9 =	vld [tilespmem:s22+$0x0];
	_ =	sdelay $0x2  }
0x7e: {  	v6 =	vsub.f32 v6, v2;
	v8 =	vsub.f32 v8, v4;
	_ =	sdelay $0x1  }
0x7f: {  	v9 =	vsub.f32 v9, v3;
	v6 =	vmul.f32 v6, v6;
	v8 =	vmul.f32 v8, v8  }
0x80: {  	v10 =	vld [tilespmem:s21+$0x0]  }
0x81: {  	v6 =	vadd.f32 v8, v6;
	v8 =	vmul.f32 v9, v9;
	_ =	sdelay $0x1  }
0x82: {  	v6 =	vadd.f32 v8, v6  }
0x83: {  	v9 =	vimm.f32 $-1.000000000e+00  }
0x84: {  	s18 =	simm.s32 $0x30;
	vm0 =	vgt.f32 v5, v9;
	v8 =	vmin.f32 v10, v6  }
0x85: {  	s20 =	simm.s32 $0x60;
	s19 =	simm.s32 $0x8060;
	s24 =	simm.s32 $0xC060;
	v10 =	vsel vm0, v5, v9;
	[tilespmem:s21+$0x0] =	vst v8  }
0x86: {  	s25 =	simm.s32 $0x4060;
	s26 =	simm.s32 $0xB0;
	s28 =	simm.s32 $0xA0;
	vm1 =	vgt.f32 v7, v10;
	v9 =	vld [tilespmem:s17+$0x10]  }
0x87: {  	s16 =	simm.s32 $0x70;
	v6 =	vimm.s32 $0x0;
	v5 =	vor.u32 s18, v1;
	v7 =	vsel vm1, v7, v10;
	v10 =	vld [tilespmem:s23+$0x10];
	s17 =	simm.s32 $0xC060;
	s23 =	simm.s32 $0x4060  }
.LBB2_10:
0x88: {  	s24 =	sadd.s32 $0x40, s24;
	s25 =	sadd.s32 $0x40, s25  }
0x89: {  	v11 =	vld [tilespmem:s22+$0x10];
	s22 =	smov.u32 s19;
	s19 =	sadd.s32 $0x40, s19;
	s29 =	smov.u32 s26  }
0x8a: {  	p0 =	sne.s32 s26, $0x3FF0;
	s26 =	sadd.s32 $0x40, s26;
	s30 =	sadd.s32 $0xFFFFFFD0, s18  }
0x8b: {  	v12 =	vor.u32 s30, v1;
	s30 =	sadd.s32 $0xFFFFFFE0, s18  }
0x8c: {  	v6 =	vsel vm0, v12, v6;
	v12 =	vor.u32 s30, v1;
	s30 =	sadd.s32 $0xFFFFFFF0, s18;
	s18 =	smov.u32 s16;
	s16 =	smov.u32 s29;
	v9 =	vsub.f32 v9, v2  }
0x8d: {  	vm0 =	vgt.f32 v8, v7;
	v6 =	vsel vm1, v12, v6;
	v10 =	vsub.f32 v10, v4  }
0x8e: {  	v12 =	vor.u32 s30, v1;
	v11 =	vsub.f32 v11, v3;
	v9 =	vmul.f32 v9, v9  }
0x8f: {  	v6 =	vsel vm0, v12, v6;
	v10 =	vmul.f32 v10, v10;
	v12 =	vld [tilespmem:s21+$0x10]  }
0x90: {  	v11 =	vmul.f32 v11, v11  }
0x91: {  	v9 =	vadd.f32 v10, v9  }
0x92: {  	v10 =	vor.u32 s18, v1  }
0x93: {  	v9 =	vadd.f32 v11, v9  }
0x94: {  	v7 =	vsel vm0, v8, v7  }
0x95: {  	v8 =	vmin.f32 v12, v9  }
0x96: {  	[tilespmem:s21+$0x10] =	vst v8;
	vm0 =	vgt.f32 v8, v7;
	s21 =	smov.u32 s17;
	s17 =	smov.u32 s24  }
0x97: {  	v9 =	vld [tilespmem:s20+$0xFFFFFFE0];
	v7 =	vsel vm0, v8, v7;
	v6 =	vsel vm0, v5, v6;
	v5 =	vmov v10  }
0x98: {  	v8 =	vld [tilespmem:s23+$0xFFFFFFE0];
	_ =	sdelay $0x1  }
0x99: {  	v10 =	vld [tilespmem:s22+$0xFFFFFFE0];
	_ =	sdelay $0x1  }
0x9a: {  	v9 =	vsub.f32 v9, v2  }
0x9b: {  	v8 =	vsub.f32 v8, v4;
	_ =	sdelay $0x1  }
0x9c: {  	v9 =	vmul.f32 v9, v9;
	v10 =	vsub.f32 v10, v3;
	v8 =	vmul.f32 v8, v8  }
0x9d: {  	v11 =	vld [tilespmem:s21+$0xFFFFFFE0]  }
0x9e: {  	v8 =	vadd.f32 v8, v9;
	v9 =	vmul.f32 v10, v10;
	_ =	sdelay $0x1  }
0x9f: {  	v8 =	vadd.f32 v9, v8;
	_ =	sdelay $0x1  }
0xa0: {  	v8 =	vmin.f32 v11, v8  }
0xa1: {  	[tilespmem:s21+$0xFFFFFFE0] =	vst v8;
	vm0 =	vgt.f32 v8, v7  }
0xa2: {  	v7 =	vsel vm0, v8, v7;
	v8 =	vld [tilespmem:s20+$0xFFFFFFF0]  }
0xa3: {  	v9 =	vld [tilespmem:s23+$0xFFFFFFF0];
	_ =	sdelay $0x1  }
0xa4: {  	v10 =	vld [tilespmem:s22+$0xFFFFFFF0];
	_ =	sdelay $0x1  }
0xa5: {  	v8 =	vsub.f32 v8, v2  }
0xa6: {  	v9 =	vsub.f32 v9, v4;
	_ =	sdelay $0x1  }
0xa7: {  	v8 =	vmul.f32 v8, v8;
	v10 =	vsub.f32 v10, v3;
	v9 =	vmul.f32 v9, v9  }
0xa8: {  	v11 =	vld [tilespmem:s21+$0xFFFFFFF0]  }
0xa9: {  	v8 =	vadd.f32 v9, v8;
	v9 =	vmul.f32 v10, v10;
	_ =	sdelay $0x1  }
0xaa: {  	v8 =	vadd.f32 v9, v8;
	_ =	sdelay $0x1  }
0xab: {  	v8 =	vmin.f32 v11, v8  }
0xac: {  	[tilespmem:s21+$0xFFFFFFF0] =	vst v8;
	vm1 =	vgt.f32 v8, v7  }
0xad: {  	v7 =	vsel vm1, v8, v7;
	v8 =	vld [tilespmem:s20+$0x0]  }
0xae: {  	v9 =	vld [tilespmem:s23+$0x0];
	_ =	sdelay $0x1  }
0xaf: {  	v10 =	vld [tilespmem:s22+$0x0];
	_ =	sdelay $0x2  }
0xb0: {  	v8 =	vsub.f32 v8, v2;
	v9 =	vsub.f32 v9, v4;
	_ =	sdelay $0x1  }
0xb1: {  	v8 =	vmul.f32 v8, v8;
	v10 =	vsub.f32 v10, v3;
	v9 =	vmul.f32 v9, v9  }
0xb2: {  	v11 =	vld [tilespmem:s21+$0x0]  }
0xb3: {  	v8 =	vadd.f32 v9, v8;
	v9 =	vmul.f32 v10, v10;
	_ =	sdelay $0x1  }
0xb4: {  	v8 =	vadd.f32 v9, v8  }
.Ltmp4:
0xb5: {  	(pc) =	sbr.rel @p0 .LBB2_10-.Ltmp4, $4  }
0xb6: {  	v8 =	vmin.f32 v11, v8  }
0xb7: {  	[tilespmem:s21+$0x0] =	vst v8  }
0xb8: {  	v9 =	vld [tilespmem:s20+$0x10];
	s20 =	smov.u32 s28  }
0xb9: {  	s28 =	sadd.s32 $0x40, s28;
	v10 =	vld [tilespmem:s23+$0x10];
	s23 =	smov.u32 s25  }
0xba: {  	_ = 	snop  }
0xbb: {  	v11 =	vld [tilespmem:s22+$0x10];
	_ =	sdelay $0x2  }
0xbc: {  	v9 =	vsub.f32 v9, v2;
	v10 =	vsub.f32 v10, v4;
	_ =	sdelay $0x1  }
0xbd: {  	v11 =	vsub.f32 v11, v3;
	v9 =	vmul.f32 v9, v9;
	v10 =	vmul.f32 v10, v10  }
0xbe: {  	v12 =	vld [tilespmem:s21+$0x10]  }
0xbf: {  	v11 =	vmul.f32 v11, v11;
	v9 =	vadd.f32 v10, v9;
	_ =	sdelay $0x1  }
0xc0: {  	v9 =	vadd.f32 v11, v9;
	_ =	sdelay $0x1  }
0xc1: {  	v9 =	vmin.f32 v12, v9  }
0xc2: {  	[tilespmem:s21+$0x10] =	vst v9  }
0xc3: {  	v48 =	vld [tilespmem:s20+$0xFFFFFFE0]  }
0xc4: {  	v49 =	vld [tilespmem:s23+$0xFFFFFFE0];
	_ =	sdelay $0x1  }
0xc5: {  	v50 =	vld [tilespmem:s19+$0xFFFFFFE0];
	_ =	sdelay $0x2  }
0xc6: {  	v10 =	vsub.f32 v48, v2;
	v11 =	vsub.f32 v49, v4;
	_ =	sdelay $0x1  }
0xc7: {  	v12 =	vsub.f32 v50, v3;
	v10 =	vmul.f32 v10, v10;
	v11 =	vmul.f32 v11, v11  }
0xc8: {  	v13 =	vld [tilespmem:s17+$0xFFFFFFE0]  }
0xc9: {  	v51 =	vmul.f32 v12, v12;
	v10 =	vadd.f32 v11, v10;
	_ =	sdelay $0x1  }
0xca: {  	v10 =	vadd.f32 v51, v10;
	_ =	sdelay $0x1  }
0xcb: {  	v10 =	vmin.f32 v13, v10  }
0xcc: {  	[tilespmem:s17+$0xFFFFFFE0] =	vst v10  }
0xcd: {  	v52 =	vld [tilespmem:s20+$0xFFFFFFF0]  }
0xce: {  	v53 =	vld [tilespmem:s23+$0xFFFFFFF0];
	_ =	sdelay $0x1  }
0xcf: {  	v54 =	vld [tilespmem:s19+$0xFFFFFFF0];
	_ =	sdelay $0x2  }
0xd0: {  	v11 =	vsub.f32 v52, v2;
	v12 =	vsub.f32 v53, v4;
	_ =	sdelay $0x1  }
0xd1: {  	v13 =	vsub.f32 v54, v3;
	v11 =	vmul.f32 v11, v11;
	v12 =	vmul.f32 v12, v12  }
0xd2: {  	v14 =	vld [tilespmem:s17+$0xFFFFFFF0]  }
0xd3: {  	v55 =	vmul.f32 v13, v13;
	v11 =	vadd.f32 v12, v11;
	_ =	sdelay $0x1  }
0xd4: {  	v11 =	vadd.f32 v55, v11;
	_ =	sdelay $0x1  }
0xd5: {  	v11 =	vmin.f32 v14, v11  }
0xd6: {  	[tilespmem:s17+$0xFFFFFFF0] =	vst v11  }
0xd7: {  	v56 =	vld [tilespmem:s20+$0x0]  }
0xd8: {  	v57 =	vld [tilespmem:s23+$0x0];
	_ =	sdelay $0x1  }
0xd9: {  	v58 =	vld [tilespmem:s19+$0x0];
	_ =	sdelay $0x2  }
0xda: {  	v12 =	vsub.f32 v56, v2;
	v13 =	vsub.f32 v57, v4;
	_ =	sdelay $0x1  }
0xdb: {  	v14 =	vsub.f32 v58, v3;
	v12 =	vmul.f32 v12, v12;
	v13 =	vmul.f32 v13, v13  }
0xdc: {  	v15 =	vld [tilespmem:s17+$0x0]  }
0xdd: {  	v59 =	vmul.f32 v14, v14;
	v12 =	vadd.f32 v13, v12;
	_ =	sdelay $0x1  }
0xde: {  	v12 =	vadd.f32 v59, v12;
	_ =	sdelay $0x1  }
0xdf: {  	v12 =	vmin.f32 v15, v12  }
0xe0: {  	[tilespmem:s17+$0x0] =	vst v12  }
0xe1: {  	v60 =	vld [tilespmem:s20+$0x10]  }
0xe2: {  	v61 =	vld [tilespmem:s23+$0x10];
	_ =	sdelay $0x1  }
0xe3: {  	v62 =	vld [tilespmem:s19+$0x10]  }
0xe4: {  	vm2 =	vgt.f32 v8, v7  }
0xe5: {  	v7 =	vsel vm2, v8, v7  }
0xe6: {  	vm3 =	vgt.f32 v9, v7;
	v2 =	vsub.f32 v60, v2;
	v4 =	vsub.f32 v61, v4  }
0xe7: {  	v7 =	vsel vm3, v9, v7  }
0xe8: {  	v3 =	vsub.f32 v62, v3;
	v2 =	vmul.f32 v2, v2;
	v4 =	vmul.f32 v4, v4  }
0xe9: {  	v63 =	vld [tilespmem:s17+$0x10];
	vm4 =	vgt.f32 v10, v7  }
0xea: {  	v7 =	vsel vm4, v10, v7;
	v3 =	vmul.f32 v3, v3;
	v2 =	vadd.f32 v4, v2  }
0xeb: {  	vm5 =	vgt.f32 v11, v7  }
0xec: {  	v4 =	vsel vm5, v11, v7;
	v2 =	vadd.f32 v3, v2  }
0xed: {  	vm6 =	vgt.f32 v12, v4  }
0xee: {  	v3 =	vsel vm6, v12, v4;
	v2 =	vmin.f32 v63, v2  }
0xef: {  	vm7 =	vgt.f32 v2, v3  }
0xf0: {  	s24 =	sadd.s32 $0xFFFFFFD0, s18;
	v3 =	vsel vm7, v2, v3  }
0xf1: {  	s25 =	sadd.s32 $0xFFFFFFE0, s18;
	v4 =	vor.u32 s24, v1;
	(xrf0) =	vmax.scan.msk.f32 $0xffff, v3  }
0xf2: {  	s26 =	sadd.s32 $0xFFFFFFF0, s18;
	v4 =	vsel vm0, v4, v6;
	v6 =	vor.u32 s25, v1  }
0xf3: {  	v4 =	vsel vm1, v6, v4;
	v6 =	vor.u32 s26, v1  }
0xf4: {  	s28 =	sadd.s32 $0xFFFFFFD0, s16;
	v4 =	vsel vm2, v6, v4  }
0xf5: {  	s29 =	sadd.s32 $0xFFFFFFE0, s16;
	v4 =	vsel vm3, v5, v4;
	v5 =	vor.u32 s28, v1  }
0xf6: {  	s30 =	sadd.s32 $0xFFFFFFF0, s16;
	v4 =	vsel vm4, v5, v4;
	v5 =	vor.u32 s29, v1  }
0xf7: {  	v4 =	vsel vm5, v5, v4;
	v5 =	vor.u32 s30, v1;
	v6, _, _ =	vpop (xrf0)  }
0xf8: {  	v7 =	vor.u32 s16, v1;
	v4 =	vsel vm6, v5, v4;
	v5 =	vbroadcast v6, $0xF  }
0xf9: {  	v4 =	vsel vm7, v7, v4  }
0xfa: {  	vm15 =	veq.f32 v3, v5;
	v3 =	vxor.u32 $0x80000000, v4  }
0xfb: {  	v3 =	vnsel vm15, $0xFFFFFFFF, v3  }
0xfc: {  	(xrf0) =	vmin.scan.msk.u32 $0xffff, v3;
	_ =	sdelay $0x5  }
0xfd: {  	v3, _, _ =	vpop (xrf0)  }
0xfe: {  	(v2sf) =	vpush v3, $0xF;
	_ =	sdelay $0xe  }
0xff: {  	s31 =	spop (v2sf)  }
0x100: {  	s16 =	sxor.u32 $0x80000000, s31  }
0x101: {  	v3 =	vmov s16  }
0x102: {  	s15 =	sadd.s32 $0x1, s15  }
0x103: {  	p0 =	sne.s32 s15, $0x100  }
.Ltmp5:
0x104: {  	_ = 	snop;
	(pc) =	sbr.rel @p0 .LBB2_9-.Ltmp5, $4  }
0x105: {  	[tilespmem:s17+$0x10] =	vst v2  }
0x106: {  	v2 =	vld.idx.msk [tilespmem:v3+s2+$0x0], $0xffff  }
0x107: {  	v4 =	vld.idx.msk [tilespmem:v3+s11+$0x0], $0xffff  }
0x108: {  	v3 =	vld.idx.msk [tilespmem:v3+s12+$0x0], $0xffff  }
0x109: {  	s14 =	sadd.s32 $0x1, s14  }
0x10a: {  	p0 =	sne.s32 s14, s7  }
.Ltmp6:
0x10b: {  	_ = 	snop;
	(pc) =	sbr.rel @p0 .LBB2_2-.Ltmp6, $4  }
0x10c: {  	[hbm4b:s5+s2] =	stream.linear.scatter [tilespmem:s13], [sflag:$0x1], $0x300, $0x38;
	[tilespmem:$0x10300] =	vst v63  }
0x10d: {  	_ =	swait.ge [sflag:s10], $0x300  }
0x10e: {  	[sflag:s10] =	ssyncset.done $0x0  }
0x10f: {  	[sflag:s10] =	ssyncadd.s32 $0xFFFFFD00  }
.LBB2_13:
0x110: {  	_ =	sfence.sel $0x180000  }
0x111: {  	[bflag:$0x0] =	sbarrier.arrive $0xFFFF  }
0x112: {  	p0 =	sne.s32 s1, $0x0;
	_ =	strace $0x90000047  }
0x113: {  	s0 =	sadd.s32 @!p0 $0x100000, s0;
	[bflag:$0x2] =	sbarrier.arrive $0xFFFF  }
0x114: {  	[sflag:s0] =	ssyncadd.tile.s32 @!p0 $0x1;
	_ =	shalt  }
.Lfunc_end2:
_tile_overlayer_lowered:
.L_overlay_start_2:
0x115: {  	(tag) =	ssettag $0x2  }
0x116: {  	s0 =	rddreg [dreg:$0x0];
	s2 =	stileid.u32  }
0x117: {  	s1 =	rddreg [dreg:$0x1];
	p0 =	sne.s32 s2, $0x0  }
0x118: {  	s3 =	rddreg [dreg:$0x2];
	[bflag:$0x3] =	sbarrier.arrive $0xFFFF;
	s2 =	simm.s32 @!p0 $0x1C01  }
0x119: {  	[timem:s3], [sflag:s2] =	dma.local @!p0 [hbm:s0], s1  }
0x11a: {  	s0 =	simm.s32 @!p0 $0x1  }
0x11b: {  	_ =	swait.ge @!p0 [sflag:s0], s1  }
0x11c: {  	s1 =	ssub.s32 @!p0 $0x0, s1;
	[sflag:s0] =	ssyncset.done @!p0 $0x0  }
0x11d: {  	[sflag:s0] =	ssyncadd.s32 @!p0 s1  }
0x11e: {  	[bflag:$0x3] =	sbarrier.arrive $0xFFFF  }
0x11f: {  	_ =	shalt  }

</sc_bundles>
